<compile_context>
chip_gen: v7x
topology: tpu7x:2x2x1
jax: 0.10.2.dev20260603
libtpu: 0.0.44.dev20260713+nightly
codegen_flags: <defaults>
</compile_context>

<pallas_src>
import functools

import jax
import jax.numpy as jnp
from jax import lax
from jax.experimental import pallas as pl
from jax.experimental.pallas import tpu as pltpu
from jax.experimental.pallas import tpu_sc as plsc

_G = 128
_K = 32
_EPS = 1e-5
_INF = 1e30


def _fps_knn_body(px_ref, py_ref, pz_ref, cen_ref, idx_ref,
                  cxs_ref, cys_ref, czs_ref):
    px = px_ref[...]
    py = py_ref[...]
    pz = pz_ref[...]
    B, N = px.shape
    iota_n = lax.broadcasted_iota(jnp.int32, (1, N), 1)

    def fps_step(i, carry):
        dists, far = carry
        m = iota_n == far
        zx = jnp.zeros((B, N), jnp.float32)
        cx = jnp.sum(jnp.where(m, px, zx), axis=1)
        cy = jnp.sum(jnp.where(m, py, zx), axis=1)
        cz = jnp.sum(jnp.where(m, pz, zx), axis=1)
        cxs_ref[pl.ds(i, 1), :] = cx[None, :]
        cys_ref[pl.ds(i, 1), :] = cy[None, :]
        czs_ref[pl.ds(i, 1), :] = cz[None, :]
        dx = px - cx[:, None]
        dy = py - cy[:, None]
        dz = pz - cz[:, None]
        d = dx * dx + dy * dy + dz * dz
        dists = jnp.minimum(dists, d)
        far = jnp.argmax(dists, axis=1).astype(jnp.int32)[:, None]
        return dists, far

    lax.fori_loop(0, _G, fps_step,
                  (jnp.full((B, N), 1e10, dtype=jnp.float32),
                   jnp.zeros((B, 1), jnp.int32)))

    cx = jnp.swapaxes(cxs_ref[...], 0, 1)
    cy = jnp.swapaxes(cys_ref[...], 0, 1)
    cz = jnp.swapaxes(czs_ref[...], 0, 1)
    cen_ref[...] = jnp.concatenate(
        [cx[:, :, None], cy[:, :, None], cz[:, :, None],
         jnp.zeros((B, _G, 13), jnp.float32)], axis=-1)

    CHUNK = 16
    iota3 = lax.broadcasted_iota(jnp.int32, (1, 1, N), 2)
    for b0 in range(0, B, CHUNK):
        bs = slice(b0, b0 + CHUNK)
        ddx = cx[bs][:, :, None] - px[bs][:, None, :]
        ddy = cy[bs][:, :, None] - py[bs][:, None, :]
        ddz = cz[bs][:, :, None] - pz[bs][:, None, :]
        d0 = ddx * ddx + ddy * ddy + ddz * ddz
        key0 = (lax.bitcast_convert_type(d0, jnp.int32) & ~jnp.int32(2047)
                ) | iota3

        def knn_step(k, key):
            kmin = jnp.min(key, axis=2)
            a = kmin & jnp.int32(2047)
            idx_ref[bs, pl.ds(k, 1), :] = a[:, None, :]
            return jnp.where(key == kmin[:, :, None],
                             jnp.int32(0x7FFFFFFF), key)

        lax.fori_loop(0, _K, knn_step, key0)


def _fps_knn(px, py, pz):
    B, N = px.shape
    return pl.pallas_call(
        _fps_knn_body,
        out_shape=(jax.ShapeDtypeStruct((B, _G, 16), jnp.float32),
                   jax.ShapeDtypeStruct((B, _K, _G), jnp.int32)),
        scratch_shapes=[pltpu.VMEM((_G, B), jnp.float32)] * 3,
    )(px, py, pz)


def _sc_gather_nb(px, py, pz, idx):
    B, N = px.shape
    M = idx.shape[0]
    info = plsc.get_sparse_core_info()
    NC, NS = info.num_cores, info.num_subcores
    NW = NC * NS
    per_w = M // NW
    wpb = NW // B
    mesh = plsc.VectorSubcoreMesh(core_axis_name="c", subcore_axis_name="s")

    @functools.partial(
        pl.kernel, mesh=mesh,
        compiler_params=pltpu.CompilerParams(needs_layout_passes=False),
        out_type=(jax.ShapeDtypeStruct((M,), jnp.float32),
                  jax.ShapeDtypeStruct((M,), jnp.float32),
                  jax.ShapeDtypeStruct((M,), jnp.float32)),
        scratch_types=[
            pltpu.VMEM((N,), jnp.float32),
            pltpu.VMEM((N,), jnp.float32),
            pltpu.VMEM((N,), jnp.float32),
            pltpu.VMEM((per_w,), jnp.int32),
            pltpu.VMEM((per_w,), jnp.float32),
            pltpu.VMEM((per_w,), jnp.float32),
            pltpu.VMEM((per_w,), jnp.float32),
        ],
    )
    def k(px_hbm, py_hbm, pz_hbm, idx_hbm, ox_hbm, oy_hbm, oz_hbm,
          tx, ty, tz, idx_v, gx, gy, gz):
        wid = lax.axis_index("s") * NC + lax.axis_index("c")
        base = wid * per_w
        b = wid // wpb
        pltpu.sync_copy(px_hbm.at[b], tx)
        pltpu.sync_copy(py_hbm.at[b], ty)
        pltpu.sync_copy(pz_hbm.at[b], tz)
        pltpu.sync_copy(idx_hbm.at[pl.ds(base, per_w)], idx_v)

        def body(j, carry):
            o = j * 16
            iv = idx_v[pl.ds(o, 16)]
            gx[pl.ds(o, 16)] = plsc.load_gather(tx, [iv])
            gy[pl.ds(o, 16)] = plsc.load_gather(ty, [iv])
            gz[pl.ds(o, 16)] = plsc.load_gather(tz, [iv])
            return carry

        lax.fori_loop(0, per_w // 16, body, 0)
        pltpu.sync_copy(gx, ox_hbm.at[pl.ds(base, per_w)])
        pltpu.sync_copy(gy, oy_hbm.at[pl.ds(base, per_w)])
        pltpu.sync_copy(gz, oz_hbm.at[pl.ds(base, per_w)])

    return k(px, py, pz, idx)


def _sc_gather_rows(table, idx, D):
    info = plsc.get_sparse_core_info()
    NC, NS = info.num_cores, info.num_subcores
    NW = NC * NS
    M = idx.shape[0]
    b_per_w = M // NW
    mesh = plsc.VectorSubcoreMesh(core_axis_name="c", subcore_axis_name="s")

    @functools.partial(
        pl.kernel, mesh=mesh,
        out_type=jax.ShapeDtypeStruct((M, D), jnp.float32),
        scratch_types=[
            pltpu.VMEM((b_per_w,), jnp.int32),
            pltpu.VMEM((b_per_w, D), jnp.float32),
            pltpu.SemaphoreType.DMA,
        ],
    )
    def k(table_hbm, idx_hbm, out_hbm, idx_v, rows_v, sem):
        wid = lax.axis_index("s") * NC + lax.axis_index("c")
        base = wid * b_per_w
        pltpu.sync_copy(idx_hbm.at[pl.ds(base, b_per_w)], idx_v)
        pltpu.async_copy(table_hbm.at[idx_v], rows_v, sem).wait()
        pltpu.sync_copy(rows_v, out_hbm.at[pl.ds(base, b_per_w)])

    return k(table, idx)


def _stats_body(nbx_ref, nby_ref, nbz_ref, cen_ref, w1_ref, b1_ref, g1_ref,
                be1_ref, s_ref, t_ref, *, M):
    gx = nbx_ref[...] - cen_ref[:, 0:1]
    gy = nby_ref[...] - cen_ref[:, 1:2]
    gz = nbz_ref[...] - cen_ref[:, 2:3]
    mx = jnp.sum(gx) / M
    my = jnp.sum(gy) / M
    mz = jnp.sum(gz) / M
    axx = jnp.sum(gx * gx) / M
    ayy = jnp.sum(gy * gy) / M
    azz = jnp.sum(gz * gz) / M
    axy = jnp.sum(gx * gy) / M
    axz = jnp.sum(gx * gz) / M
    ayz = jnp.sum(gy * gz) / M
    w0 = w1_ref[0:1, :]
    w1 = w1_ref[1:2, :]
    w2 = w1_ref[2:3, :]
    b1 = b1_ref[...]
    mu0 = mx * w0 + my * w1 + mz * w2
    mu = mu0 + b1
    ex2 = (axx * w0 * w0 + ayy * w1 * w1 + azz * w2 * w2
           + 2.0 * (axy * w0 * w1 + axz * w0 * w2 + ayz * w1 * w2)
           + 2.0 * b1 * mu0 + b1 * b1)
    var = ex2 - mu * mu
    s = g1_ref[...] * lax.rsqrt(var + _EPS)
    s_ref[...] = s
    t_ref[...] = be1_ref[...] - mu * s


def _bn1_stats(nbx, nby, nbz, cen, W1, b1, g1, be1):
    M = nbx.shape[0] * nbx.shape[1]
    return pl.pallas_call(
        functools.partial(_stats_body, M=float(M)),
        out_shape=(jax.ShapeDtypeStruct((1, 128), jnp.float32),
                   jax.ShapeDtypeStruct((1, 128), jnp.float32)),
    )(nbx, nby, nbz, cen, W1, b1, g1, be1)


def _enc1_body(nbx_ref, nby_ref, nbz_ref, cen_ref, w1_ref, s1_ref, t1_ref,
               w2_ref, b2_ref, w3_ref, b3_ref, h3_ref, sums_ref):
    Gb, Kn = nbx_ref.shape
    R = Gb * Kn
    gx = nbx_ref[...] - cen_ref[:, 0:1]
    gy = nby_ref[...] - cen_ref[:, 1:2]
    gz = nbz_ref[...] - cen_ref[:, 2:3]
    w0 = w1_ref[0:1, :].reshape(1, 1, 128)
    w1 = w1_ref[1:2, :].reshape(1, 1, 128)
    w2 = w1_ref[2:3, :].reshape(1, 1, 128)
    h1 = (gx[:, :, None] * w0 + gy[:, :, None] * w1
          + gz[:, :, None] * w2).reshape(R, 128)
    a1 = jnp.maximum(h1 * s1_ref[...] + t1_ref[...], 0.0)
    h2 = jnp.dot(a1, w2_ref[...], preferred_element_type=jnp.float32) + b2_ref[...]
    fg = jnp.max(h2.reshape(Gb, Kn, 256), axis=1)
    fgb = jnp.broadcast_to(fg[:, None, :], (Gb, Kn, 256)).reshape(R, 256)
    cat = jnp.concatenate([fgb, h2], axis=1)
    h3 = jnp.dot(cat, w3_ref[...], preferred_element_type=jnp.float32) + b3_ref[...]
    h3_ref[...] = h3.astype(jnp.bfloat16)
    ssum = jnp.sum(h3, axis=0, keepdims=True)
    ssq = jnp.sum(h3 * h3, axis=0, keepdims=True)
    acc = jnp.concatenate([ssum, ssq], axis=0)
    @pl.when(pl.program_id(0) == 0)
    def _():
        sums_ref[...] = acc
    @pl.when(pl.program_id(0) != 0)
    def _():
        sums_ref[...] += acc


def _encoder1(nbx, nby, nbz, cen, W1, s1, t1, W2, b2, W3, b3):
    BG = nbx.shape[0]
    M = BG * _K
    GB = 32
    n = BG // GB
    full = lambda shp: pl.BlockSpec(shp, lambda i: (0, 0))
    blk = lambda shp: pl.BlockSpec(shp, lambda i: (i, 0))
    return pl.pallas_call(
        _enc1_body,
        grid=(n,),
        in_specs=[
            blk((GB, _K)), blk((GB, _K)), blk((GB, _K)), blk((GB, 16)),
            full((3, 128)), full((1, 128)), full((1, 128)),
            full((128, 256)), full((1, 256)),
            full((512, 512)), full((1, 512)),
        ],
        out_specs=(pl.BlockSpec((GB * _K, 512), lambda i: (i, 0)),
                   pl.BlockSpec((2, 512), lambda i: (0, 0))),
        out_shape=(jax.ShapeDtypeStruct((M, 512), jnp.bfloat16),
                   jax.ShapeDtypeStruct((2, 512), jnp.float32)),
    )(nbx, nby, nbz, cen, W1, s1, t1, W2, b2, W3, b3)


def _enc2_body(h3_ref, sums_ref, g2_ref, be2_ref, w4_ref, b4_ref, feat_ref,
               *, M):
    h3 = h3_ref[...].astype(jnp.float32)
    R = h3.shape[0]
    Gb = R // _K
    mu = sums_ref[0:1, :] / M
    var = sums_ref[1:2, :] / M - mu * mu
    s2 = g2_ref[...] * lax.rsqrt(var + _EPS)
    t2 = be2_ref[...] - mu * s2
    a3 = jnp.maximum(h3 * s2 + t2, 0.0)
    h4 = jnp.dot(a3, w4_ref[...], preferred_element_type=jnp.float32) + b4_ref[...]
    feat_ref[...] = jnp.max(h4.reshape(Gb, _K, 256), axis=1)


def _encoder2(h3, sums, g2, be2, W4, b4):
    M = h3.shape[0]
    RB = 1024
    GB = RB // _K
    n = M // RB
    full = lambda shp: pl.BlockSpec(shp, lambda i: (0, 0))
    return pl.pallas_call(
        functools.partial(_enc2_body, M=float(M)),
        grid=(n,),
        in_specs=[
            pl.BlockSpec((RB, 512), lambda i: (i, 0)),
            full((2, 512)), full((1, 512)), full((1, 512)),
            full((512, 256)), full((1, 256)),
        ],
        out_specs=pl.BlockSpec((GB, 256), lambda i: (i, 0)),
        out_shape=jax.ShapeDtypeStruct((M // _K, 256), jnp.float32),
    )(h3, sums, g2, be2, W4, b4)


def _vq_body(feat_ref, cbt_ref, minv_ref, tok_ref):
    TB = cbt_ref.shape[1]
    cbt = cbt_ref[...]
    cn = jnp.sum(cbt * cbt, axis=0, keepdims=True)
    sc = jnp.dot(feat_ref[...], cbt,
                 preferred_element_type=jnp.float32)
    d2 = cn - 2.0 * sc
    m = jnp.min(d2, axis=1, keepdims=True)
    iota_t = lax.broadcasted_iota(jnp.int32, d2.shape, 1)
    a = jnp.min(jnp.where(d2 == m, iota_t, jnp.int32(2**30)), axis=1,
                keepdims=True) + pl.program_id(0) * TB
    @pl.when(pl.program_id(0) == 0)
    def _():
        minv_ref[...] = m
        tok_ref[...] = a
    @pl.when(pl.program_id(0) != 0)
    def _():
        better = m < minv_ref[...]
        minv_ref[...] = jnp.where(better, m, minv_ref[...])
        tok_ref[...] = jnp.where(better, a, tok_ref[...])


def _vq(feat, cbT):
    BG = feat.shape[0]
    T = cbT.shape[1]
    TB = 512
    return pl.pallas_call(
        _vq_body,
        grid=(T // TB,),
        in_specs=[
            pl.BlockSpec((BG, 256), lambda i: (0, 0)),
            pl.BlockSpec((256, TB), lambda i: (0, i)),
        ],
        out_specs=(pl.BlockSpec((BG, 1), lambda i: (0, 0)),
                   pl.BlockSpec((BG, 1), lambda i: (0, 0))),
        out_shape=(jax.ShapeDtypeStruct((BG, 1), jnp.float32),
                   jax.ShapeDtypeStruct((BG, 1), jnp.int32)),
    )(feat, cbT)


def _dec_body(q_ref, nbx_ref, nby_ref, nbz_ref, cen_ref, d1_ref, db1_ref,
              d2_ref, db2_ref, d3x_ref, d3y_ref, d3z_ref, db3x_ref,
              db3y_ref, db3z_ref, out_ref, *, denom):
    q = q_ref[...]
    h = jnp.maximum(jnp.dot(q, d1_ref[...], preferred_element_type=jnp.float32)
                    + db1_ref[...], 0.0)
    h = jnp.maximum(jnp.dot(h, d2_ref[...], preferred_element_type=jnp.float32)
                    + db2_ref[...], 0.0)
    rx = jnp.dot(h, d3x_ref[...], preferred_element_type=jnp.float32) + db3x_ref[...]
    ry = jnp.dot(h, d3y_ref[...], preferred_element_type=jnp.float32) + db3y_ref[...]
    rz = jnp.dot(h, d3z_ref[...], preferred_element_type=jnp.float32) + db3z_ref[...]
    gx = nbx_ref[...] - cen_ref[:, 0:1]
    gy = nby_ref[...] - cen_ref[:, 1:2]
    gz = nbz_ref[...] - cen_ref[:, 2:3]
    tx = rx[:, :, None] - gx[:, None, :]
    ty = ry[:, :, None] - gy[:, None, :]
    tz = rz[:, :, None] - gz[:, None, :]
    dd = tx * tx + ty * ty + tz * tz
    part = (jnp.sum(jnp.min(dd, axis=2)) + jnp.sum(jnp.min(dd, axis=1))) / denom
    part = jnp.reshape(part, (1, 1))
    @pl.when(pl.program_id(0) == 0)
    def _():
        out_ref[...] = part
    @pl.when(pl.program_id(0) != 0)
    def _():
        out_ref[...] += part


def _decode_chamfer(q, nbx, nby, nbz, cen, D1, db1, D2, db2,
                    D3x, D3y, D3z, db3x, db3y, db3z):
    BG = q.shape[0]
    GB = 256
    n = BG // GB
    denom = float(BG * _K)
    full = lambda shp: pl.BlockSpec(shp, lambda i: (0, 0))
    blk = lambda r: pl.BlockSpec(r, lambda i: (i, 0))
    return pl.pallas_call(
        functools.partial(_dec_body, denom=denom),
        grid=(n,),
        in_specs=[
            blk((GB, 256)), blk((GB, _K)), blk((GB, _K)), blk((GB, _K)),
            blk((GB, 16)),
            full((256, 512)), full((1, 512)),
            full((512, 256)), full((1, 256)),
            full((256, _K)), full((256, _K)), full((256, _K)),
            full((1, _K)), full((1, _K)), full((1, _K)),
        ],
        out_specs=pl.BlockSpec((1, 1), lambda i: (0, 0)),
        out_shape=jax.ShapeDtypeStruct((1, 1), jnp.float32),
    )(q, nbx, nby, nbz, cen, D1, db1, D2, db2,
      D3x, D3y, D3z, db3x, db3y, db3z)


def kernel(pts, W1, b1, g1, be1, W2, b2, W3, b3, g2, be2, W4, b4,
           codebook, D1, db1, D2, db2, D3, db3):
    B, N, _ = pts.shape
    C = W4.shape[1]
    BG = B * _G
    M = BG * _K

    px = pts[:, :, 0]
    py = pts[:, :, 1]
    pz = pts[:, :, 2]
    cen16, knn_kg = _fps_knn(px, py, pz)
    knn = knn_kg.transpose(0, 2, 1)

    nbx, nby, nbz = _sc_gather_nb(px, py, pz, knn.reshape(M))
    nbx = nbx.reshape(BG, _K)
    nby = nby.reshape(BG, _K)
    nbz = nbz.reshape(BG, _K)

    cen = cen16.reshape(BG, 16)
    r = lambda v: v.reshape(1, -1)
    s1, t1 = _bn1_stats(nbx, nby, nbz, cen, W1, r(b1), r(g1), r(be1))
    h3, sums = _encoder1(nbx, nby, nbz, cen, W1, s1, t1, W2, r(b2), W3, r(b3))
    feat = _encoder2(h3, sums, r(g2), r(be2), W4, r(b4))
    _, tok = _vq(feat, codebook.T)
    q = _sc_gather_rows(codebook, tok.reshape(BG), C)

    loss = _decode_chamfer(
        q, nbx, nby, nbz, cen, D1, r(db1), D2, r(db2),
        D3[:, 0::3], D3[:, 1::3], D3[:, 2::3],
        r(db3[0::3]), r(db3[1::3]), r(db3[2::3]))
    return loss[0, 0]

# --- scband reference (transcript-rebuilt; emitter-appended) ---
"""Pipeline reference for scband-discrete-vae-25125558681957 (READ-ONLY COPY).

The authoritative reference and input builder live on the scoring server;
editing this copy changes nothing except your own understanding.
"""

import jax, jax.numpy as jnp
import numpy as np

B, N, G, K, C, T = 16, 2048, 128, 32, 256, 8192


def fps(xyz, n_samples):
    Bb, Nn, _ = xyz.shape
    dists = jnp.full((Bb, Nn), 1e10, dtype=xyz.dtype)
    farthest = jnp.zeros((Bb,), dtype=jnp.int32)
    idx_list = []
    for _ in range(n_samples):
        idx_list.append(farthest)
        pt = jnp.take_along_axis(xyz, farthest[:, None, None], axis=1)
        d = jnp.sum((xyz - pt) ** 2, axis=-1)
        dists = jnp.minimum(dists, d)
        farthest = jnp.argmax(dists, axis=1).astype(jnp.int32)
    return jnp.stack(idx_list, axis=1)


def bn(x, gamma, beta, eps=1e-5):
    mu = jnp.mean(x, axis=(0, 1), keepdims=True)
    var = jnp.var(x, axis=(0, 1), keepdims=True)
    return (x - mu) / jnp.sqrt(var + eps) * gamma + beta


def setup_inputs(seed: int = 0):
    key = jax.random.key(seed)
    ks = jax.random.split(key, 12)

    def p(k, shape, s=0.02):
        return jax.random.normal(k, shape, dtype=jnp.float32) * s

    return {
        "pts": jax.random.normal(ks[0], (B, N, 3), dtype=jnp.float32),
        "W1": p(ks[1], (3, 128), 0.1), "b1": jnp.zeros((128,), jnp.float32),
        "g1": jnp.ones((128,), jnp.float32), "be1": jnp.zeros((128,), jnp.float32),
        "W2": p(ks[2], (128, 256)), "b2": jnp.zeros((256,), jnp.float32),
        "W3": p(ks[3], (512, 512)), "b3": jnp.zeros((512,), jnp.float32),
        "g2": jnp.ones((512,), jnp.float32), "be2": jnp.zeros((512,), jnp.float32),
        "W4": p(ks[4], (512, C)), "b4": jnp.zeros((C,), jnp.float32),
        "codebook": p(ks[5], (T, C), 0.05),
        "D1": p(ks[6], (C, 512)), "db1": jnp.zeros((512,), jnp.float32),
        "D2": p(ks[7], (512, 256)), "db2": jnp.zeros((256,), jnp.float32),
        "D3": p(ks[8], (256, 3 * K)), "db3": jnp.zeros((3 * K,), jnp.float32),
    }


def reference(pts, W1, b1, g1, be1, W2, b2, W3, b3, g2, be2, W4, b4,
              codebook, D1, db1, D2, db2, D3, db3):
    # Group: FPS centers + kNN neighborhoods (centered)
    center_idx = fps(pts, G)                                   # [B,G]
    center = jax.vmap(lambda x, i: x[i])(pts, center_idx)      # [B,G,3]
    d = jnp.sum((center[:, :, None, :] - pts[:, None, :, :]) ** 2, axis=-1)  # [B,G,N]
    _, knn = jax.lax.top_k(-d, K)                              # [B,G,K]
    neighborhood = jax.vmap(lambda x, i: x[i])(pts, knn)       # [B,G,K,3]
    neighborhood = neighborhood - center[:, :, None, :]
    # PointMAE mini-PointNet encoder
    x = neighborhood.reshape(B * G, K, 3)
    h = x @ W1 + b1
    h = jax.nn.relu(bn(h, g1, be1))
    h = h @ W2 + b2                                            # [BG,K,256]
    fg = jnp.max(h, axis=1, keepdims=True)
    h = jnp.concatenate([jnp.broadcast_to(fg, (B * G, K, 256)), h], axis=-1)
    h = h @ W3 + b3
    h = jax.nn.relu(bn(h, g2, be2))
    h = h @ W4 + b4
    feat = jnp.max(h, axis=1).reshape(B, G, C)                 # [B,G,C]
    # VQ: nearest codebook entry (cdist argmin) + embedding gather
    d2 = (jnp.sum(feat ** 2, axis=-1, keepdims=True)
          + jnp.sum(codebook ** 2, axis=-1)[None, None, :]
          - 2.0 * jnp.einsum('bgc,tc->bgt', feat, codebook))   # [B,G,T]
    token_ids = jnp.argmin(d2, axis=-1)                        # [B,G]
    q = jnp.take(codebook, token_ids, axis=0)                  # [B,G,C]
    # 1x1-conv decoder
    h = jax.nn.relu(q @ D1 + db1)
    h = jax.nn.relu(h @ D2 + db2)
    rec = (h @ D3 + db3).reshape(B * G, K, 3)
    gt = neighborhood.reshape(B * G, K, 3)
    # Chamfer distance L2
    dd = jnp.sum((rec[:, :, None, :] - gt[:, None, :, :]) ** 2, axis=-1)  # [BG,K,K]
    loss = jnp.mean(jnp.min(dd, axis=2)) + jnp.mean(jnp.min(dd, axis=1))
    return loss

if __name__ == "__main__":
    import jax
    _d = setup_inputs()
    print(jax.jit(kernel)(*tuple(_d.values())))

</pallas_src>

<mosaic_0001>
#map = affine_map<(d0, d1) -> (0, 0)>
#map1 = affine_map<(d0, d1) -> (0)>
module attributes {stable_mosaic.version = 14 : i64} {
  func.func @k(%arg0: i32, %arg1: i32, %arg2: memref<8192x256xf32, #tpu.memory_space<hbm>>, %arg3: memref<2048xi32, #tpu.memory_space<hbm>>, %arg4: memref<2048x256xf32, #tpu.memory_space<hbm>>, %arg5: memref<64xi32, #tpu.memory_space<vmem>>, %arg6: memref<64x256xf32, #tpu.memory_space<vmem>>, %arg7: memref<!tpu.dma_semaphore, #tpu.memory_space<semaphore_mem>>) attributes {dimension_semantics = [#tpu.dimension_semantics<core_parallel>, #tpu.dimension_semantics<subcore_parallel>], iteration_bounds = array<i64: 2, 16>, scalar_prefetch = 0 : i64, scratch_operands = 3 : i64, tpu.core_type = #tpu.core_type<sc_vector_subcore>, window_params = [{transform_indices = #map}, {transform_indices = #map1}, {transform_indices = #map}]} {
    %mul3A = arith.constant 2 : i32
    %mul3A_0 = arith.muli %arg1, %mul3A : i32
    %add3A = arith.addi %mul3A_0, %arg0 : i32
    %mul3A_1 = arith.constant 64 : i32
    %mul3A_2 = arith.muli %add3A, %mul3A_1 : i32
    "tpu.region"() ({
      %run_scoped3A = tpu.sem_alloc : memref<!tpu.dma_semaphore, #tpu.memory_space<semaphore_mem>>
      %dma_start3A_7 = tpu.memref_slice %arg3[%mul3A_2] : memref<2048xi32, #tpu.memory_space<hbm>> -> memref<64xi32, #tpu.memory_space<hbm>>
      %dma_start3A_8 = tpu.memref_slice %arg3[%mul3A_2] : memref<2048xi32, #tpu.memory_space<hbm>> -> memref<64xi32, #tpu.memory_space<hbm>>
      tpu.enqueue_dma source(%dma_start3A_8 : memref<64xi32, #tpu.memory_space<hbm>>) target(%arg5 : memref<64xi32, #tpu.memory_space<vmem>>) target_semaphore(%run_scoped3A : memref<!tpu.dma_semaphore, #tpu.memory_space<semaphore_mem>>)
      %dma_wait3A_9 = tpu.memref_slice %arg3[%mul3A_2] : memref<2048xi32, #tpu.memory_space<hbm>> -> memref<64xi32, #tpu.memory_space<hbm>>
      %dma_wait3A_10 = tpu.memref_slice %arg3[%mul3A_2] : memref<2048xi32, #tpu.memory_space<hbm>> -> memref<64xi32, #tpu.memory_space<hbm>>
      tpu.wait_dma2 semaphore(%run_scoped3A : memref<!tpu.dma_semaphore, #tpu.memory_space<semaphore_mem>>) src(%dma_wait3A_10 : memref<64xi32, #tpu.memory_space<hbm>>) dst(%arg5 : memref<64xi32, #tpu.memory_space<vmem>>)
      tpu.yield
    }) : () -> ()
    %dma_start3A = arith.constant 0 : i32
    %dma_start3A_3 = arith.constant 0 : i32
    %dma_start3A_4 = tpu.memref_slice %arg2[%dma_start3A, %dma_start3A_3] : memref<8192x256xf32, #tpu.memory_space<hbm>> -> memref<8192x256xf32, #tpu.memory_space<hbm>>
    tpu.enqueue_indirect_dma source(%dma_start3A_4 : memref<8192x256xf32, #tpu.memory_space<hbm>>) target(%arg6 : memref<64x256xf32, #tpu.memory_space<vmem>>) offsets(%arg5 : memref<64xi32, #tpu.memory_space<vmem>>) semaphore(%arg7 : memref<!tpu.dma_semaphore, #tpu.memory_space<semaphore_mem>>)
    %dma_wait3A = arith.constant 0 : i32
    %dma_wait3A_5 = arith.constant 0 : i32
    %dma_wait3A_6 = tpu.memref_slice %arg2[%dma_wait3A, %dma_wait3A_5] : memref<8192x256xf32, #tpu.memory_space<hbm>> -> memref<8192x256xf32, #tpu.memory_space<hbm>>
    tpu.wait_indirect_dma semaphore(%arg7 : memref<!tpu.dma_semaphore, #tpu.memory_space<semaphore_mem>>) src(%dma_wait3A_6 : memref<8192x256xf32, #tpu.memory_space<hbm>>) dst(%arg6 : memref<64x256xf32, #tpu.memory_space<vmem>>)
    "tpu.region"() ({
      %run_scoped3A = tpu.sem_alloc : memref<!tpu.dma_semaphore, #tpu.memory_space<semaphore_mem>>
      %dma_start3A_7 = arith.constant 0 : i32
      %dma_start3A_8 = tpu.memref_slice %arg4[%mul3A_2, %dma_start3A_7] : memref<2048x256xf32, #tpu.memory_space<hbm>> -> memref<64x256xf32, #tpu.memory_space<hbm>>
      %dma_start3A_9 = arith.constant 0 : i32
      %dma_start3A_10 = tpu.memref_slice %arg4[%mul3A_2, %dma_start3A_9] : memref<2048x256xf32, #tpu.memory_space<hbm>> -> memref<64x256xf32, #tpu.memory_space<hbm>>
      tpu.enqueue_dma source(%arg6 : memref<64x256xf32, #tpu.memory_space<vmem>>) target(%dma_start3A_10 : memref<64x256xf32, #tpu.memory_space<hbm>>) target_semaphore(%run_scoped3A : memref<!tpu.dma_semaphore, #tpu.memory_space<semaphore_mem>>)
      %dma_wait3A_11 = arith.constant 0 : i32
      %dma_wait3A_12 = tpu.memref_slice %arg4[%mul3A_2, %dma_wait3A_11] : memref<2048x256xf32, #tpu.memory_space<hbm>> -> memref<64x256xf32, #tpu.memory_space<hbm>>
      %dma_wait3A_13 = arith.constant 0 : i32
      %dma_wait3A_14 = tpu.memref_slice %arg4[%mul3A_2, %dma_wait3A_13] : memref<2048x256xf32, #tpu.memory_space<hbm>> -> memref<64x256xf32, #tpu.memory_space<hbm>>
      tpu.wait_dma2 semaphore(%run_scoped3A : memref<!tpu.dma_semaphore, #tpu.memory_space<semaphore_mem>>) src(%arg6 : memref<64x256xf32, #tpu.memory_space<vmem>>) dst(%dma_wait3A_14 : memref<64x256xf32, #tpu.memory_space<hbm>>)
      tpu.yield
    }) : () -> ()
    return
  }
}

#map = affine_map<(d0, d1) -> (0, 0)>
#map1 = affine_map<(d0, d1) -> (0)>
module attributes {stable_mosaic.version = 14 : i64} {
  func.func @k(%arg0: i32, %arg1: i32, %arg2: memref<16x2048xf32, #tpu.memory_space<hbm>>, %arg3: memref<16x2048xf32, #tpu.memory_space<hbm>>, %arg4: memref<16x2048xf32, #tpu.memory_space<hbm>>, %arg5: memref<65536xi32, #tpu.memory_space<hbm>>, %arg6: memref<65536xf32, #tpu.memory_space<hbm>>, %arg7: memref<65536xf32, #tpu.memory_space<hbm>>, %arg8: memref<65536xf32, #tpu.memory_space<hbm>>, %arg9: memref<2048xf32, #tpu.memory_space<vmem>>, %arg10: memref<2048xf32, #tpu.memory_space<vmem>>, %arg11: memref<2048xf32, #tpu.memory_space<vmem>>, %arg12: memref<2048xi32, #tpu.memory_space<vmem>>, %arg13: memref<2048xf32, #tpu.memory_space<vmem>>, %arg14: memref<2048xf32, #tpu.memory_space<vmem>>, %arg15: memref<2048xf32, #tpu.memory_space<vmem>>) attributes {dimension_semantics = [#tpu.dimension_semantics<core_parallel>, #tpu.dimension_semantics<subcore_parallel>], iteration_bounds = array<i64: 2, 16>, scalar_prefetch = 0 : i64, scratch_operands = 7 : i64, tpu.core_type = #tpu.core_type<sc_vector_subcore>, window_params = [{transform_indices = #map}, {transform_indices = #map}, {transform_indices = #map}, {transform_indices = #map1}, {transform_indices = #map1}, {transform_indices = #map1}, {transform_indices = #map1}]} {
    %mul3A = arith.constant 2 : i32
    %mul3A_0 = arith.muli %arg1, %mul3A : i32
    %add3A = arith.addi %mul3A_0, %arg0 : i32
    %mul3A_1 = arith.constant 2048 : i32
    %mul3A_2 = arith.muli %add3A, %mul3A_1 : i32
    %jit3A = arith.constant 2 : i32
    %div3A = arith.divsi %add3A, %jit3A : i32
    %sign3A = arith.constant 0 : i32
    %sign3A_3 = arith.cmpi sgt, %add3A, %sign3A : i32
    %sign3A_4 = arith.extui %sign3A_3 : i1 to i32
    %sign3A_5 = arith.constant 0 : i32
    %sign3A_6 = arith.cmpi slt, %add3A, %sign3A_5 : i32
    %sign3A_7 = arith.extui %sign3A_6 : i1 to i32
    %sign3A_8 = arith.subi %sign3A_4, %sign3A_7 : i32
    %sign3A_9 = arith.constant 0 : i32
    %sign3A_10 = arith.cmpi sgt, %jit3A, %sign3A_9 : i32
    %sign3A_11 = arith.extui %sign3A_10 : i1 to i32
    %sign3A_12 = arith.constant 0 : i32
    %sign3A_13 = arith.cmpi slt, %jit3A, %sign3A_12 : i32
    %sign3A_14 = arith.extui %sign3A_13 : i1 to i32
    %sign3A_15 = arith.subi %sign3A_11, %sign3A_14 : i32
    %ne3A = arith.cmpi ne, %sign3A_8, %sign3A_15 : i32
    %rem3A = arith.remsi %add3A, %jit3A : i32
    %ne3A_16 = arith.constant 0 : i32
    %ne3A_17 = arith.cmpi ne, %rem3A, %ne3A_16 : i32
    %and3A = arith.andi %ne3A, %ne3A_17 : i1
    %sub3A = arith.constant 1 : i32
    %sub3A_18 = arith.subi %div3A, %sub3A : i32
    %select_n3A = arith.select %and3A, %sub3A_18, %div3A : i32
    "tpu.region"() ({
      %run_scoped3A = tpu.sem_alloc : memref<!tpu.dma_semaphore, #tpu.memory_space<semaphore_mem>>
      %dma_start3A = arith.constant 0 : i32
      %dma_start3A_24 = tpu.memref_slice %arg2[%select_n3A, %dma_start3A] : memref<16x2048xf32, #tpu.memory_space<hbm>> -> memref<1x2048xf32, #tpu.memory_space<hbm>>
      %dma_start3A_25 = tpu.memref_squeeze %dma_start3A_24 : memref<1x2048xf32, #tpu.memory_space<hbm>> -> memref<2048xf32, #tpu.memory_space<hbm>>
      %dma_start3A_26 = arith.constant 0 : i32
      %dma_start3A_27 = tpu.memref_slice %arg2[%select_n3A, %dma_start3A_26] : memref<16x2048xf32, #tpu.memory_space<hbm>> -> memref<1x2048xf32, #tpu.memory_space<hbm>>
      %dma_start3A_28 = tpu.memref_squeeze %dma_start3A_27 : memref<1x2048xf32, #tpu.memory_space<hbm>> -> memref<2048xf32, #tpu.memory_space<hbm>>
      tpu.enqueue_dma source(%dma_start3A_28 : memref<2048xf32, #tpu.memory_space<hbm>>) target(%arg9 : memref<2048xf32, #tpu.memory_space<vmem>>) target_semaphore(%run_scoped3A : memref<!tpu.dma_semaphore, #tpu.memory_space<semaphore_mem>>)
      %dma_wait3A = arith.constant 0 : i32
      %dma_wait3A_29 = tpu.memref_slice %arg2[%select_n3A, %dma_wait3A] : memref<16x2048xf32, #tpu.memory_space<hbm>> -> memref<1x2048xf32, #tpu.memory_space<hbm>>
      %dma_wait3A_30 = tpu.memref_squeeze %dma_wait3A_29 : memref<1x2048xf32, #tpu.memory_space<hbm>> -> memref<2048xf32, #tpu.memory_space<hbm>>
      %dma_wait3A_31 = arith.constant 0 : i32
      %dma_wait3A_32 = tpu.memref_slice %arg2[%select_n3A, %dma_wait3A_31] : memref<16x2048xf32, #tpu.memory_space<hbm>> -> memref<1x2048xf32, #tpu.memory_space<hbm>>
      %dma_wait3A_33 = tpu.memref_squeeze %dma_wait3A_32 : memref<1x2048xf32, #tpu.memory_space<hbm>> -> memref<2048xf32, #tpu.memory_space<hbm>>
      tpu.wait_dma2 semaphore(%run_scoped3A : memref<!tpu.dma_semaphore, #tpu.memory_space<semaphore_mem>>) src(%dma_wait3A_33 : memref<2048xf32, #tpu.memory_space<hbm>>) dst(%arg9 : memref<2048xf32, #tpu.memory_space<vmem>>)
      tpu.yield
    }) : () -> ()
    "tpu.region"() ({
      %run_scoped3A = tpu.sem_alloc : memref<!tpu.dma_semaphore, #tpu.memory_space<semaphore_mem>>
      %dma_start3A = arith.constant 0 : i32
      %dma_start3A_24 = tpu.memref_slice %arg3[%select_n3A, %dma_start3A] : memref<16x2048xf32, #tpu.memory_space<hbm>> -> memref<1x2048xf32, #tpu.memory_space<hbm>>
      %dma_start3A_25 = tpu.memref_squeeze %dma_start3A_24 : memref<1x2048xf32, #tpu.memory_space<hbm>> -> memref<2048xf32, #tpu.memory_space<hbm>>
      %dma_start3A_26 = arith.constant 0 : i32
      %dma_start3A_27 = tpu.memref_slice %arg3[%select_n3A, %dma_start3A_26] : memref<16x2048xf32, #tpu.memory_space<hbm>> -> memref<1x2048xf32, #tpu.memory_space<hbm>>
      %dma_start3A_28 = tpu.memref_squeeze %dma_start3A_27 : memref<1x2048xf32, #tpu.memory_space<hbm>> -> memref<2048xf32, #tpu.memory_space<hbm>>
      tpu.enqueue_dma source(%dma_start3A_28 : memref<2048xf32, #tpu.memory_space<hbm>>) target(%arg10 : memref<2048xf32, #tpu.memory_space<vmem>>) target_semaphore(%run_scoped3A : memref<!tpu.dma_semaphore, #tpu.memory_space<semaphore_mem>>)
      %dma_wait3A = arith.constant 0 : i32
      %dma_wait3A_29 = tpu.memref_slice %arg3[%select_n3A, %dma_wait3A] : memref<16x2048xf32, #tpu.memory_space<hbm>> -> memref<1x2048xf32, #tpu.memory_space<hbm>>
      %dma_wait3A_30 = tpu.memref_squeeze %dma_wait3A_29 : memref<1x2048xf32, #tpu.memory_space<hbm>> -> memref<2048xf32, #tpu.memory_space<hbm>>
      %dma_wait3A_31 = arith.constant 0 : i32
      %dma_wait3A_32 = tpu.memref_slice %arg3[%select_n3A, %dma_wait3A_31] : memref<16x2048xf32, #tpu.memory_space<hbm>> -> memref<1x2048xf32, #tpu.memory_space<hbm>>
      %dma_wait3A_33 = tpu.memref_squeeze %dma_wait3A_32 : memref<1x2048xf32, #tpu.memory_space<hbm>> -> memref<2048xf32, #tpu.memory_space<hbm>>
      tpu.wait_dma2 semaphore(%run_scoped3A : memref<!tpu.dma_semaphore, #tpu.memory_space<semaphore_mem>>) src(%dma_wait3A_33 : memref<2048xf32, #tpu.memory_space<hbm>>) dst(%arg10 : memref<2048xf32, #tpu.memory_space<vmem>>)
      tpu.yield
    }) : () -> ()
    "tpu.region"() ({
      %run_scoped3A = tpu.sem_alloc : memref<!tpu.dma_semaphore, #tpu.memory_space<semaphore_mem>>
      %dma_start3A = arith.constant 0 : i32
      %dma_start3A_24 = tpu.memref_slice %arg4[%select_n3A, %dma_start3A] : memref<16x2048xf32, #tpu.memory_space<hbm>> -> memref<1x2048xf32, #tpu.memory_space<hbm>>
      %dma_start3A_25 = tpu.memref_squeeze %dma_start3A_24 : memref<1x2048xf32, #tpu.memory_space<hbm>> -> memref<2048xf32, #tpu.memory_space<hbm>>
      %dma_start3A_26 = arith.constant 0 : i32
      %dma_start3A_27 = tpu.memref_slice %arg4[%select_n3A, %dma_start3A_26] : memref<16x2048xf32, #tpu.memory_space<hbm>> -> memref<1x2048xf32, #tpu.memory_space<hbm>>
      %dma_start3A_28 = tpu.memref_squeeze %dma_start3A_27 : memref<1x2048xf32, #tpu.memory_space<hbm>> -> memref<2048xf32, #tpu.memory_space<hbm>>
      tpu.enqueue_dma source(%dma_start3A_28 : memref<2048xf32, #tpu.memory_space<hbm>>) target(%arg11 : memref<2048xf32, #tpu.memory_space<vmem>>) target_semaphore(%run_scoped3A : memref<!tpu.dma_semaphore, #tpu.memory_space<semaphore_mem>>)
      %dma_wait3A = arith.constant 0 : i32
      %dma_wait3A_29 = tpu.memref_slice %arg4[%select_n3A, %dma_wait3A] : memref<16x2048xf32, #tpu.memory_space<hbm>> -> memref<1x2048xf32, #tpu.memory_space<hbm>>
      %dma_wait3A_30 = tpu.memref_squeeze %dma_wait3A_29 : memref<1x2048xf32, #tpu.memory_space<hbm>> -> memref<2048xf32, #tpu.memory_space<hbm>>
      %dma_wait3A_31 = arith.constant 0 : i32
      %dma_wait3A_32 = tpu.memref_slice %arg4[%select_n3A, %dma_wait3A_31] : memref<16x2048xf32, #tpu.memory_space<hbm>> -> memref<1x2048xf32, #tpu.memory_space<hbm>>
      %dma_wait3A_33 = tpu.memref_squeeze %dma_wait3A_32 : memref<1x2048xf32, #tpu.memory_space<hbm>> -> memref<2048xf32, #tpu.memory_space<hbm>>
      tpu.wait_dma2 semaphore(%run_scoped3A : memref<!tpu.dma_semaphore, #tpu.memory_space<semaphore_mem>>) src(%dma_wait3A_33 : memref<2048xf32, #tpu.memory_space<hbm>>) dst(%arg11 : memref<2048xf32, #tpu.memory_space<vmem>>)
      tpu.yield
    }) : () -> ()
    "tpu.region"() ({
      %run_scoped3A = tpu.sem_alloc : memref<!tpu.dma_semaphore, #tpu.memory_space<semaphore_mem>>
      %dma_start3A = tpu.memref_slice %arg5[%mul3A_2] : memref<65536xi32, #tpu.memory_space<hbm>> -> memref<2048xi32, #tpu.memory_space<hbm>>
      %dma_start3A_24 = tpu.memref_slice %arg5[%mul3A_2] : memref<65536xi32, #tpu.memory_space<hbm>> -> memref<2048xi32, #tpu.memory_space<hbm>>
      tpu.enqueue_dma source(%dma_start3A_24 : memref<2048xi32, #tpu.memory_space<hbm>>) target(%arg12 : memref<2048xi32, #tpu.memory_space<vmem>>) target_semaphore(%run_scoped3A : memref<!tpu.dma_semaphore, #tpu.memory_space<semaphore_mem>>)
      %dma_wait3A = tpu.memref_slice %arg5[%mul3A_2] : memref<65536xi32, #tpu.memory_space<hbm>> -> memref<2048xi32, #tpu.memory_space<hbm>>
      %dma_wait3A_25 = tpu.memref_slice %arg5[%mul3A_2] : memref<65536xi32, #tpu.memory_space<hbm>> -> memref<2048xi32, #tpu.memory_space<hbm>>
      tpu.wait_dma2 semaphore(%run_scoped3A : memref<!tpu.dma_semaphore, #tpu.memory_space<semaphore_mem>>) src(%dma_wait3A_25 : memref<2048xi32, #tpu.memory_space<hbm>>) dst(%arg12 : memref<2048xi32, #tpu.memory_space<vmem>>)
      tpu.yield
    }) : () -> ()
    %scan3A = arith.constant 0 : i32
    %scan3A_19 = arith.constant 0 : i32
    %scan3A_20 = arith.constant 128 : i32
    %scan3A_21 = arith.addi %scan3A_19, %scan3A_20 : i32
    %scan3A_22 = arith.constant 1 : i32
    scf.for %scan3A_24 = %scan3A_19 to %scan3A_21 step %scan3A_22  : i32 {
      %mul3A_25 = arith.constant 16 : i32
      %mul3A_26 = arith.muli %scan3A_24, %mul3A_25 : i32
      %get3A = arith.index_cast %mul3A_26 : i32 to index
      %get3A_27 = tpu.vector_load %arg12[%get3A] {strides = array<i32>} : memref<2048xi32, #tpu.memory_space<vmem>>, vector<16xi32>,
      %gather3A = tpu.vector_load_idx %arg9[%get3A_27] : memref<2048xf32, #tpu.memory_space<vmem>>[vector<16xi32>], vector<16xf32>,
      %swap3A = arith.index_cast %mul3A_26 : i32 to index
      %swap3A_28 = tpu.vector_load %arg13[%swap3A] {strides = array<i32>} : memref<2048xf32, #tpu.memory_space<vmem>>, vector<16xf32>,
      tpu.vector_store %arg13[%swap3A], %gather3A {strides = array<i32>} : memref<2048xf32, #tpu.memory_space<vmem>>, vector<16xf32>,
      %gather3A_29 = tpu.vector_load_idx %arg10[%get3A_27] : memref<2048xf32, #tpu.memory_space<vmem>>[vector<16xi32>], vector<16xf32>,
      %swap3A_30 = arith.index_cast %mul3A_26 : i32 to index
      %swap3A_31 = tpu.vector_load %arg14[%swap3A_30] {strides = array<i32>} : memref<2048xf32, #tpu.memory_space<vmem>>, vector<16xf32>,
      tpu.vector_store %arg14[%swap3A_30], %gather3A_29 {strides = array<i32>} : memref<2048xf32, #tpu.memory_space<vmem>>, vector<16xf32>,
      %gather3A_32 = tpu.vector_load_idx %arg11[%get3A_27] : memref<2048xf32, #tpu.memory_space<vmem>>[vector<16xi32>], vector<16xf32>,
      %swap3A_33 = arith.index_cast %mul3A_26 : i32 to index
      %swap3A_34 = tpu.vector_load %arg15[%swap3A_33] {strides = array<i32>} : memref<2048xf32, #tpu.memory_space<vmem>>, vector<16xf32>,
      tpu.vector_store %arg15[%swap3A_33], %gather3A_32 {strides = array<i32>} : memref<2048xf32, #tpu.memory_space<vmem>>, vector<16xf32>,
    }
    %scan3A_23 = arith.constant 128 : i32
    "tpu.region"() ({
      %run_scoped3A = tpu.sem_alloc : memref<!tpu.dma_semaphore, #tpu.memory_space<semaphore_mem>>
      %dma_start3A = tpu.memref_slice %arg6[%mul3A_2] : memref<65536xf32, #tpu.memory_space<hbm>> -> memref<2048xf32, #tpu.memory_space<hbm>>
      %dma_start3A_24 = tpu.memref_slice %arg6[%mul3A_2] : memref<65536xf32, #tpu.memory_space<hbm>> -> memref<2048xf32, #tpu.memory_space<hbm>>
      tpu.enqueue_dma source(%arg13 : memref<2048xf32, #tpu.memory_space<vmem>>) target(%dma_start3A_24 : memref<2048xf32, #tpu.memory_space<hbm>>) target_semaphore(%run_scoped3A : memref<!tpu.dma_semaphore, #tpu.memory_space<semaphore_mem>>)
      %dma_wait3A = tpu.memref_slice %arg6[%mul3A_2] : memref<65536xf32, #tpu.memory_space<hbm>> -> memref<2048xf32, #tpu.memory_space<hbm>>
      %dma_wait3A_25 = tpu.memref_slice %arg6[%mul3A_2] : memref<65536xf32, #tpu.memory_space<hbm>> -> memref<2048xf32, #tpu.memory_space<hbm>>
      tpu.wait_dma2 semaphore(%run_scoped3A : memref<!tpu.dma_semaphore, #tpu.memory_space<semaphore_mem>>) src(%arg13 : memref<2048xf32, #tpu.memory_space<vmem>>) dst(%dma_wait3A_25 : memref<2048xf32, #tpu.memory_space<hbm>>)
      tpu.yield
    }) : () -> ()
    "tpu.region"() ({
      %run_scoped3A = tpu.sem_alloc : memref<!tpu.dma_semaphore, #tpu.memory_space<semaphore_mem>>
      %dma_start3A = tpu.memref_slice %arg7[%mul3A_2] : memref<65536xf32, #tpu.memory_space<hbm>> -> memref<2048xf32, #tpu.memory_space<hbm>>
      %dma_start3A_24 = tpu.memref_slice %arg7[%mul3A_2] : memref<65536xf32, #tpu.memory_space<hbm>> -> memref<2048xf32, #tpu.memory_space<hbm>>
      tpu.enqueue_dma source(%arg14 : memref<2048xf32, #tpu.memory_space<vmem>>) target(%dma_start3A_24 : memref<2048xf32, #tpu.memory_space<hbm>>) target_semaphore(%run_scoped3A : memref<!tpu.dma_semaphore, #tpu.memory_space<semaphore_mem>>)
      %dma_wait3A = tpu.memref_slice %arg7[%mul3A_2] : memref<65536xf32, #tpu.memory_space<hbm>> -> memref<2048xf32, #tpu.memory_space<hbm>>
      %dma_wait3A_25 = tpu.memref_slice %arg7[%mul3A_2] : memref<65536xf32, #tpu.memory_space<hbm>> -> memref<2048xf32, #tpu.memory_space<hbm>>
      tpu.wait_dma2 semaphore(%run_scoped3A : memref<!tpu.dma_semaphore, #tpu.memory_space<semaphore_mem>>) src(%arg14 : memref<2048xf32, #tpu.memory_space<vmem>>) dst(%dma_wait3A_25 : memref<2048xf32, #tpu.memory_space<hbm>>)
      tpu.yield
    }) : () -> ()
    "tpu.region"() ({
      %run_scoped3A = tpu.sem_alloc : memref<!tpu.dma_semaphore, #tpu.memory_space<semaphore_mem>>
      %dma_start3A = tpu.memref_slice %arg8[%mul3A_2] : memref<65536xf32, #tpu.memory_space<hbm>> -> memref<2048xf32, #tpu.memory_space<hbm>>
      %dma_start3A_24 = tpu.memref_slice %arg8[%mul3A_2] : memref<65536xf32, #tpu.memory_space<hbm>> -> memref<2048xf32, #tpu.memory_space<hbm>>
      tpu.enqueue_dma source(%arg15 : memref<2048xf32, #tpu.memory_space<vmem>>) target(%dma_start3A_24 : memref<2048xf32, #tpu.memory_space<hbm>>) target_semaphore(%run_scoped3A : memref<!tpu.dma_semaphore, #tpu.memory_space<semaphore_mem>>)
      %dma_wait3A = tpu.memref_slice %arg8[%mul3A_2] : memref<65536xf32, #tpu.memory_space<hbm>> -> memref<2048xf32, #tpu.memory_space<hbm>>
      %dma_wait3A_25 = tpu.memref_slice %arg8[%mul3A_2] : memref<65536xf32, #tpu.memory_space<hbm>> -> memref<2048xf32, #tpu.memory_space<hbm>>
      tpu.wait_dma2 semaphore(%run_scoped3A : memref<!tpu.dma_semaphore, #tpu.memory_space<semaphore_mem>>) src(%arg15 : memref<2048xf32, #tpu.memory_space<vmem>>) dst(%dma_wait3A_25 : memref<2048xf32, #tpu.memory_space<hbm>>)
      tpu.yield
    }) : () -> ()
    return
  }
}

module attributes {stable_mosaic.version = 14 : i64} {
  func.func @_fps_knn_body(%arg0: memref<16x2048xf32, #tpu.memory_space<vmem>>, %arg1: memref<16x2048xf32, #tpu.memory_space<vmem>>, %arg2: memref<16x2048xf32, #tpu.memory_space<vmem>>, %arg3: memref<16x128x16xf32, #tpu.memory_space<vmem>>, %arg4: memref<16x32x128xi32, #tpu.memory_space<vmem>>, %arg5: memref<128x16xf32, #tpu.memory_space<vmem>>, %arg6: memref<128x16xf32, #tpu.memory_space<vmem>>, %arg7: memref<128x16xf32, #tpu.memory_space<vmem>>) attributes {dimension_semantics = [], scalar_prefetch = 0 : i64, scratch_operands = 3 : i64, tpu.core_type = #tpu.core_type<tc>} {
    %get3A = arith.constant 0 : index
    %get3A_0 = arith.constant 0 : index
    %get3A_1 = vector.load %arg0[%get3A, %get3A_0] : memref<16x2048xf32, #tpu.memory_space<vmem>>, vector<16x2048xf32>
    %get3A_2 = arith.constant 0 : index
    %get3A_3 = arith.constant 0 : index
    %get3A_4 = vector.load %arg1[%get3A_2, %get3A_3] : memref<16x2048xf32, #tpu.memory_space<vmem>>, vector<16x2048xf32>
    %get3A_5 = arith.constant 0 : index
    %get3A_6 = arith.constant 0 : index
    %get3A_7 = vector.load %arg2[%get3A_5, %get3A_6] : memref<16x2048xf32, #tpu.memory_space<vmem>>, vector<16x2048xf32>
    %iota3A = tpu.iota {dimensions = array<i32: 1>} : vector<1x2048xi32>
    %broadcast_in_dim3A = arith.constant 1.000000e+10 : f32
    %broadcast_in_dim3A_8 = vector.broadcast %broadcast_in_dim3A : f32 to vector<16x2048xf32>
    %broadcast_in_dim3A_9 = arith.constant 0 : i32
    %broadcast_in_dim3A_10 = vector.broadcast %broadcast_in_dim3A_9 : i32 to vector<16x1xi32>
    %scan3A = arith.constant 0 : i32
    %scan3A_11 = arith.constant 128 : i32
    %scan3A_12 = arith.addi %scan3A, %scan3A_11 : i32
    %scan3A_13 = arith.constant 1 : i32
    %scan3A_14:2 = scf.for %scan3A_63 = %scan3A to %scan3A_12 step %scan3A_13 iter_args(%scan3A_64 = %broadcast_in_dim3A_8, %scan3A_65 = %broadcast_in_dim3A_10) -> (vector<16x2048xf32>, vector<16x1xi32>)  : i32 {
      %eq3A = vector.broadcast %iota3A : vector<1x2048xi32> to vector<16x2048xi32>
      %eq3A_66 = vector.broadcast %scan3A_65 : vector<16x1xi32> to vector<16x2048xi32>
      %eq3A_67 = arith.cmpi eq, %eq3A, %eq3A_66 : vector<16x2048xi32>
      %broadcast_in_dim3A_68 = arith.constant 0.000000e+00 : f32
      %broadcast_in_dim3A_69 = vector.broadcast %broadcast_in_dim3A_68 : f32 to vector<16x2048xf32>
      %select_n3A = arith.select %eq3A_67, %get3A_1, %broadcast_in_dim3A_69 : vector<16x2048xi1>, vector<16x2048xf32>
      %reduce_sum3A = arith.constant dense<0.000000e+00> : vector<16xf32>
      %reduce_sum3A_70 = vector.multi_reduction <add>, %select_n3A, %reduce_sum3A [1] : vector<16x2048xf32> to vector<16xf32>
      %select_n3A_71 = arith.select %eq3A_67, %get3A_4, %broadcast_in_dim3A_69 : vector<16x2048xi1>, vector<16x2048xf32>
      %reduce_sum3A_72 = arith.constant dense<0.000000e+00> : vector<16xf32>
      %reduce_sum3A_73 = vector.multi_reduction <add>, %select_n3A_71, %reduce_sum3A_72 [1] : vector<16x2048xf32> to vector<16xf32>
      %select_n3A_74 = arith.select %eq3A_67, %get3A_7, %broadcast_in_dim3A_69 : vector<16x2048xi1>, vector<16x2048xf32>
      %reduce_sum3A_75 = arith.constant dense<0.000000e+00> : vector<16xf32>
      %reduce_sum3A_76 = vector.multi_reduction <add>, %select_n3A_74, %reduce_sum3A_75 [1] : vector<16x2048xf32> to vector<16xf32>
      %broadcast_in_dim3A_77 = vector.shape_cast %reduce_sum3A_70 : vector<16xf32> to vector<1x16xf32>
      %swap3A_78 = arith.index_cast %scan3A_63 : i32 to index
      %swap3A_79 = arith.constant 0 : index
      %swap3A_80 = vector.load %arg5[%swap3A_78, %swap3A_79] : memref<128x16xf32, #tpu.memory_space<vmem>>, vector<1x16xf32>
      tpu.vector_store %arg5[%swap3A_78, %swap3A_79], %broadcast_in_dim3A_77 {strides = array<i32>} : memref<128x16xf32, #tpu.memory_space<vmem>>, vector<1x16xf32>,
      %broadcast_in_dim3A_81 = vector.shape_cast %reduce_sum3A_73 : vector<16xf32> to vector<1x16xf32>
      %swap3A_82 = arith.index_cast %scan3A_63 : i32 to index
      %swap3A_83 = arith.constant 0 : index
      %swap3A_84 = vector.load %arg6[%swap3A_82, %swap3A_83] : memref<128x16xf32, #tpu.memory_space<vmem>>, vector<1x16xf32>
      tpu.vector_store %arg6[%swap3A_82, %swap3A_83], %broadcast_in_dim3A_81 {strides = array<i32>} : memref<128x16xf32, #tpu.memory_space<vmem>>, vector<1x16xf32>,
      %broadcast_in_dim3A_85 = vector.shape_cast %reduce_sum3A_76 : vector<16xf32> to vector<1x16xf32>
      %swap3A_86 = arith.index_cast %scan3A_63 : i32 to index
      %swap3A_87 = arith.constant 0 : index
      %swap3A_88 = vector.load %arg7[%swap3A_86, %swap3A_87] : memref<128x16xf32, #tpu.memory_space<vmem>>, vector<1x16xf32>
      tpu.vector_store %arg7[%swap3A_86, %swap3A_87], %broadcast_in_dim3A_85 {strides = array<i32>} : memref<128x16xf32, #tpu.memory_space<vmem>>, vector<1x16xf32>,
      %broadcast_in_dim3A_89 = vector.shape_cast %reduce_sum3A_70 : vector<16xf32> to vector<16x1xf32>
      %sub3A_90 = vector.broadcast %broadcast_in_dim3A_89 : vector<16x1xf32> to vector<16x2048xf32>
      %sub3A_91 = arith.subf %get3A_1, %sub3A_90 : vector<16x2048xf32>
      %broadcast_in_dim3A_92 = vector.shape_cast %reduce_sum3A_73 : vector<16xf32> to vector<16x1xf32>
      %sub3A_93 = vector.broadcast %broadcast_in_dim3A_92 : vector<16x1xf32> to vector<16x2048xf32>
      %sub3A_94 = arith.subf %get3A_4, %sub3A_93 : vector<16x2048xf32>
      %broadcast_in_dim3A_95 = vector.shape_cast %reduce_sum3A_76 : vector<16xf32> to vector<16x1xf32>
      %sub3A_96 = vector.broadcast %broadcast_in_dim3A_95 : vector<16x1xf32> to vector<16x2048xf32>
      %sub3A_97 = arith.subf %get3A_7, %sub3A_96 : vector<16x2048xf32>
      %mul3A_98 = arith.mulf %sub3A_91, %sub3A_91 : vector<16x2048xf32>
      %mul3A_99 = arith.mulf %sub3A_94, %sub3A_94 : vector<16x2048xf32>
      %add3A_100 = arith.addf %mul3A_98, %mul3A_99 : vector<16x2048xf32>
      %mul3A_101 = arith.mulf %sub3A_97, %sub3A_97 : vector<16x2048xf32>
      %add3A_102 = arith.addf %add3A_100, %mul3A_101 : vector<16x2048xf32>
      %min3A = arith.minimumf %scan3A_64, %add3A_102 : vector<16x2048xf32>
      %argmax3A = tpu.reduce_index %min3A {axis = 1 : i32, kind = #tpu.reduction_kind<arg_max>} : vector<16x2048xf32> -> vector<16xi32>
      %broadcast_in_dim3A_103 = vector.shape_cast %argmax3A : vector<16xi32> to vector<16x1xi32>
      scf.yield %min3A, %broadcast_in_dim3A_103 : vector<16x2048xf32>, vector<16x1xi32>
    }
    %scan3A_15 = arith.constant 128 : i32
    %get3A_16 = arith.constant 0 : index
    %get3A_17 = arith.constant 0 : index
    %get3A_18 = vector.load %arg5[%get3A_16, %get3A_17] : memref<128x16xf32, #tpu.memory_space<vmem>>, vector<128x16xf32>
    %transpose3A = tpu.transpose %get3A_18, [1, 0] : vector<128x16xf32> -> vector<16x128xf32>
    %get3A_19 = arith.constant 0 : index
    %get3A_20 = arith.constant 0 : index
    %get3A_21 = vector.load %arg6[%get3A_19, %get3A_20] : memref<128x16xf32, #tpu.memory_space<vmem>>, vector<128x16xf32>
    %transpose3A_22 = tpu.transpose %get3A_21, [1, 0] : vector<128x16xf32> -> vector<16x128xf32>
    %get3A_23 = arith.constant 0 : index
    %get3A_24 = arith.constant 0 : index
    %get3A_25 = vector.load %arg7[%get3A_23, %get3A_24] : memref<128x16xf32, #tpu.memory_space<vmem>>, vector<128x16xf32>
    %transpose3A_26 = tpu.transpose %get3A_25, [1, 0] : vector<128x16xf32> -> vector<16x128xf32>
    %broadcast_in_dim3A_27 = vector.shape_cast %transpose3A : vector<16x128xf32> to vector<16x128x1xf32>
    %broadcast_in_dim3A_28 = vector.shape_cast %transpose3A_22 : vector<16x128xf32> to vector<16x128x1xf32>
    %broadcast_in_dim3A_29 = vector.shape_cast %transpose3A_26 : vector<16x128xf32> to vector<16x128x1xf32>
    %broadcast_in_dim3A_30 = arith.constant 0.000000e+00 : f32
    %broadcast_in_dim3A_31 = vector.broadcast %broadcast_in_dim3A_30 : f32 to vector<16x128x13xf32>
    %concatenate3A = tpu.concatenate %broadcast_in_dim3A_27, %broadcast_in_dim3A_28, %broadcast_in_dim3A_29, %broadcast_in_dim3A_31 in 2 : vector<16x128x1xf32>, vector<16x128x1xf32>, vector<16x128x1xf32>, vector<16x128x13xf32> -> vector<16x128x16xf32>
    %swap3A = arith.constant 0 : index
    %swap3A_32 = arith.constant 0 : index
    %swap3A_33 = arith.constant 0 : index
    %swap3A_34 = vector.load %arg3[%swap3A, %swap3A_32, %swap3A_33] : memref<16x128x16xf32, #tpu.memory_space<vmem>>, vector<16x128x16xf32>
    tpu.vector_store %arg3[%swap3A, %swap3A_32, %swap3A_33], %concatenate3A {strides = array<i32>} : memref<16x128x16xf32, #tpu.memory_space<vmem>>, vector<16x128x16xf32>,
    %iota3A_35 = tpu.iota {dimensions = array<i32: 2>} : vector<1x1x2048xi32>
    %broadcast_in_dim3A_36 = vector.shape_cast %transpose3A : vector<16x128xf32> to vector<16x128x1xf32>
    %broadcast_in_dim3A_37 = vector.shape_cast %get3A_1 : vector<16x2048xf32> to vector<16x1x2048xf32>
    %sub3A = vector.broadcast %broadcast_in_dim3A_36 : vector<16x128x1xf32> to vector<16x128x2048xf32>
    %sub3A_38 = vector.broadcast %broadcast_in_dim3A_37 : vector<16x1x2048xf32> to vector<16x128x2048xf32>
    %sub3A_39 = arith.subf %sub3A, %sub3A_38 : vector<16x128x2048xf32>
    %broadcast_in_dim3A_40 = vector.shape_cast %transpose3A_22 : vector<16x128xf32> to vector<16x128x1xf32>
    %broadcast_in_dim3A_41 = vector.shape_cast %get3A_4 : vector<16x2048xf32> to vector<16x1x2048xf32>
    %sub3A_42 = vector.broadcast %broadcast_in_dim3A_40 : vector<16x128x1xf32> to vector<16x128x2048xf32>
    %sub3A_43 = vector.broadcast %broadcast_in_dim3A_41 : vector<16x1x2048xf32> to vector<16x128x2048xf32>
    %sub3A_44 = arith.subf %sub3A_42, %sub3A_43 : vector<16x128x2048xf32>
    %broadcast_in_dim3A_45 = vector.shape_cast %transpose3A_26 : vector<16x128xf32> to vector<16x128x1xf32>
    %broadcast_in_dim3A_46 = vector.shape_cast %get3A_7 : vector<16x2048xf32> to vector<16x1x2048xf32>
    %sub3A_47 = vector.broadcast %broadcast_in_dim3A_45 : vector<16x128x1xf32> to vector<16x128x2048xf32>
    %sub3A_48 = vector.broadcast %broadcast_in_dim3A_46 : vector<16x1x2048xf32> to vector<16x128x2048xf32>
    %sub3A_49 = arith.subf %sub3A_47, %sub3A_48 : vector<16x128x2048xf32>
    %mul3A = arith.mulf %sub3A_39, %sub3A_39 : vector<16x128x2048xf32>
    %mul3A_50 = arith.mulf %sub3A_44, %sub3A_44 : vector<16x128x2048xf32>
    %add3A = arith.addf %mul3A, %mul3A_50 : vector<16x128x2048xf32>
    %mul3A_51 = arith.mulf %sub3A_49, %sub3A_49 : vector<16x128x2048xf32>
    %add3A_52 = arith.addf %add3A, %mul3A_51 : vector<16x128x2048xf32>
    %bitcast_convert_type3A = tpu.bitcast %add3A_52 : vector<16x128x2048xf32> -> vector<16x128x2048xi32>
    %not3A = arith.constant 2047 : i32
    %not3A_53 = arith.constant -1 : i32
    %not3A_54 = arith.xori %not3A, %not3A_53 : i32
    %and3A = vector.broadcast %not3A_54 : i32 to vector<16x128x2048xi32>
    %and3A_55 = arith.andi %bitcast_convert_type3A, %and3A : vector<16x128x2048xi32>
    %or3A = vector.broadcast %iota3A_35 : vector<1x1x2048xi32> to vector<16x128x2048xi32>
    %or3A_56 = arith.ori %and3A_55, %or3A : vector<16x128x2048xi32>
    %scan3A_57 = arith.constant 0 : i32
    %scan3A_58 = arith.constant 32 : i32
    %scan3A_59 = arith.addi %scan3A_57, %scan3A_58 : i32
    %scan3A_60 = arith.constant 1 : i32
    %scan3A_61 = scf.for %scan3A_63 = %scan3A_57 to %scan3A_59 step %scan3A_60 iter_args(%scan3A_64 = %or3A_56) -> (vector<16x128x2048xi32>)  : i32 {
      %reduce_min3A = arith.constant dense<2147483647> : vector<16x128xi32>
      %reduce_min3A_65 = vector.multi_reduction <minsi>, %scan3A_64, %reduce_min3A [2] : vector<16x128x2048xi32> to vector<16x128xi32>
      %and3A_66 = arith.constant 2047 : i32
      %and3A_67 = vector.broadcast %and3A_66 : i32 to vector<16x128xi32>
      %and3A_68 = arith.andi %reduce_min3A_65, %and3A_67 : vector<16x128xi32>
      %broadcast_in_dim3A_69 = vector.shape_cast %and3A_68 : vector<16x128xi32> to vector<16x1x128xi32>
      %swap3A_70 = arith.constant 0 : index
      %swap3A_71 = arith.index_cast %scan3A_63 : i32 to index
      %swap3A_72 = arith.constant 0 : index
      %swap3A_73 = vector.load %arg4[%swap3A_70, %swap3A_71, %swap3A_72] : memref<16x32x128xi32, #tpu.memory_space<vmem>>, vector<16x1x128xi32>
      tpu.vector_store %arg4[%swap3A_70, %swap3A_71, %swap3A_72], %broadcast_in_dim3A_69 {strides = array<i32>} : memref<16x32x128xi32, #tpu.memory_space<vmem>>, vector<16x1x128xi32>,
      %broadcast_in_dim3A_74 = vector.shape_cast %reduce_min3A_65 : vector<16x128xi32> to vector<16x128x1xi32>
      %eq3A = vector.broadcast %broadcast_in_dim3A_74 : vector<16x128x1xi32> to vector<16x128x2048xi32>
      %eq3A_75 = arith.cmpi eq, %scan3A_64, %eq3A : vector<16x128x2048xi32>
      %jit3A = arith.constant 2147483647 : i32
      %broadcast_in_dim3A_76 = vector.broadcast %jit3A : i32 to vector<16x128x2048xi32>
      %select_n3A = arith.select %eq3A_75, %broadcast_in_dim3A_76, %scan3A_64 : vector<16x128x2048xi1>, vector<16x128x2048xi32>
      scf.yield %select_n3A : vector<16x128x2048xi32>
    }
    %scan3A_62 = arith.constant 32 : i32
    return
  }
}

module attributes {stable_mosaic.version = 14 : i64} {
  func.func @_stats_body(%arg0: memref<2048x32xf32, #tpu.memory_space<vmem>>, %arg1: memref<2048x32xf32, #tpu.memory_space<vmem>>, %arg2: memref<2048x32xf32, #tpu.memory_space<vmem>>, %arg3: memref<2048x16xf32, #tpu.memory_space<vmem>>, %arg4: memref<3x128xf32, #tpu.memory_space<vmem>>, %arg5: memref<1x128xf32, #tpu.memory_space<vmem>>, %arg6: memref<1x128xf32, #tpu.memory_space<vmem>>, %arg7: memref<1x128xf32, #tpu.memory_space<vmem>>, %arg8: memref<1x128xf32, #tpu.memory_space<vmem>>, %arg9: memref<1x128xf32, #tpu.memory_space<vmem>>) attributes {dimension_semantics = [], scalar_prefetch = 0 : i64, scratch_operands = 0 : i64, tpu.core_type = #tpu.core_type<tc>} {
    %get3A = arith.constant 0 : index
    %get3A_0 = arith.constant 0 : index
    %get3A_1 = vector.load %arg0[%get3A, %get3A_0] : memref<2048x32xf32, #tpu.memory_space<vmem>>, vector<2048x32xf32>
    %get3A_2 = arith.constant 0 : index
    %get3A_3 = arith.constant 0 : index
    %get3A_4 = vector.load %arg3[%get3A_2, %get3A_3] : memref<2048x16xf32, #tpu.memory_space<vmem>>, vector<2048x1xf32>
    %sub3A = vector.broadcast %get3A_4 : vector<2048x1xf32> to vector<2048x32xf32>
    %sub3A_5 = arith.subf %get3A_1, %sub3A : vector<2048x32xf32>
    %get3A_6 = arith.constant 0 : index
    %get3A_7 = arith.constant 0 : index
    %get3A_8 = vector.load %arg1[%get3A_6, %get3A_7] : memref<2048x32xf32, #tpu.memory_space<vmem>>, vector<2048x32xf32>
    %get3A_9 = arith.constant 0 : index
    %get3A_10 = arith.constant 1 : index
    %get3A_11 = vector.load %arg3[%get3A_9, %get3A_10] : memref<2048x16xf32, #tpu.memory_space<vmem>>, vector<2048x1xf32>
    %sub3A_12 = vector.broadcast %get3A_11 : vector<2048x1xf32> to vector<2048x32xf32>
    %sub3A_13 = arith.subf %get3A_8, %sub3A_12 : vector<2048x32xf32>
    %get3A_14 = arith.constant 0 : index
    %get3A_15 = arith.constant 0 : index
    %get3A_16 = vector.load %arg2[%get3A_14, %get3A_15] : memref<2048x32xf32, #tpu.memory_space<vmem>>, vector<2048x32xf32>
    %get3A_17 = arith.constant 0 : index
    %get3A_18 = arith.constant 2 : index
    %get3A_19 = vector.load %arg3[%get3A_17, %get3A_18] : memref<2048x16xf32, #tpu.memory_space<vmem>>, vector<2048x1xf32>
    %sub3A_20 = vector.broadcast %get3A_19 : vector<2048x1xf32> to vector<2048x32xf32>
    %sub3A_21 = arith.subf %get3A_16, %sub3A_20 : vector<2048x32xf32>
    %reduce_sum3A = vector.shape_cast %sub3A_5 : vector<2048x32xf32> to vector<1x2048x32xf32>
    %reduce_sum3A_22 = arith.constant dense<0.000000e+00> : vector<1xf32>
    %reduce_sum3A_23 = vector.multi_reduction <add>, %reduce_sum3A, %reduce_sum3A_22 [1, 2] : vector<1x2048x32xf32> to vector<1xf32>
    %reduce_sum3A_24 = vector.shape_cast %reduce_sum3A_23 : vector<1xf32> to vector<1x1x1xf32>
    %reduce_sum3A_25 = vector.extract %reduce_sum3A_24[0, 0, 0] : f32 from vector<1x1x1xf32>
    %div3A = arith.constant 6.553600e+04 : f32
    %div3A_26 = arith.divf %reduce_sum3A_25, %div3A : f32
    %reduce_sum3A_27 = vector.shape_cast %sub3A_13 : vector<2048x32xf32> to vector<1x2048x32xf32>
    %reduce_sum3A_28 = arith.constant dense<0.000000e+00> : vector<1xf32>
    %reduce_sum3A_29 = vector.multi_reduction <add>, %reduce_sum3A_27, %reduce_sum3A_28 [1, 2] : vector<1x2048x32xf32> to vector<1xf32>
    %reduce_sum3A_30 = vector.shape_cast %reduce_sum3A_29 : vector<1xf32> to vector<1x1x1xf32>
    %reduce_sum3A_31 = vector.extract %reduce_sum3A_30[0, 0, 0] : f32 from vector<1x1x1xf32>
    %div3A_32 = arith.constant 6.553600e+04 : f32
    %div3A_33 = arith.divf %reduce_sum3A_31, %div3A_32 : f32
    %reduce_sum3A_34 = vector.shape_cast %sub3A_21 : vector<2048x32xf32> to vector<1x2048x32xf32>
    %reduce_sum3A_35 = arith.constant dense<0.000000e+00> : vector<1xf32>
    %reduce_sum3A_36 = vector.multi_reduction <add>, %reduce_sum3A_34, %reduce_sum3A_35 [1, 2] : vector<1x2048x32xf32> to vector<1xf32>
    %reduce_sum3A_37 = vector.shape_cast %reduce_sum3A_36 : vector<1xf32> to vector<1x1x1xf32>
    %reduce_sum3A_38 = vector.extract %reduce_sum3A_37[0, 0, 0] : f32 from vector<1x1x1xf32>
    %div3A_39 = arith.constant 6.553600e+04 : f32
    %div3A_40 = arith.divf %reduce_sum3A_38, %div3A_39 : f32
    %mul3A = arith.mulf %sub3A_5, %sub3A_5 : vector<2048x32xf32>
    %reduce_sum3A_41 = vector.shape_cast %mul3A : vector<2048x32xf32> to vector<1x2048x32xf32>
    %reduce_sum3A_42 = arith.constant dense<0.000000e+00> : vector<1xf32>
    %reduce_sum3A_43 = vector.multi_reduction <add>, %reduce_sum3A_41, %reduce_sum3A_42 [1, 2] : vector<1x2048x32xf32> to vector<1xf32>
    %reduce_sum3A_44 = vector.shape_cast %reduce_sum3A_43 : vector<1xf32> to vector<1x1x1xf32>
    %reduce_sum3A_45 = vector.extract %reduce_sum3A_44[0, 0, 0] : f32 from vector<1x1x1xf32>
    %div3A_46 = arith.constant 6.553600e+04 : f32
    %div3A_47 = arith.divf %reduce_sum3A_45, %div3A_46 : f32
    %mul3A_48 = arith.mulf %sub3A_13, %sub3A_13 : vector<2048x32xf32>
    %reduce_sum3A_49 = vector.shape_cast %mul3A_48 : vector<2048x32xf32> to vector<1x2048x32xf32>
    %reduce_sum3A_50 = arith.constant dense<0.000000e+00> : vector<1xf32>
    %reduce_sum3A_51 = vector.multi_reduction <add>, %reduce_sum3A_49, %reduce_sum3A_50 [1, 2] : vector<1x2048x32xf32> to vector<1xf32>
    %reduce_sum3A_52 = vector.shape_cast %reduce_sum3A_51 : vector<1xf32> to vector<1x1x1xf32>
    %reduce_sum3A_53 = vector.extract %reduce_sum3A_52[0, 0, 0] : f32 from vector<1x1x1xf32>
    %div3A_54 = arith.constant 6.553600e+04 : f32
    %div3A_55 = arith.divf %reduce_sum3A_53, %div3A_54 : f32
    %mul3A_56 = arith.mulf %sub3A_21, %sub3A_21 : vector<2048x32xf32>
    %reduce_sum3A_57 = vector.shape_cast %mul3A_56 : vector<2048x32xf32> to vector<1x2048x32xf32>
    %reduce_sum3A_58 = arith.constant dense<0.000000e+00> : vector<1xf32>
    %reduce_sum3A_59 = vector.multi_reduction <add>, %reduce_sum3A_57, %reduce_sum3A_58 [1, 2] : vector<1x2048x32xf32> to vector<1xf32>
    %reduce_sum3A_60 = vector.shape_cast %reduce_sum3A_59 : vector<1xf32> to vector<1x1x1xf32>
    %reduce_sum3A_61 = vector.extract %reduce_sum3A_60[0, 0, 0] : f32 from vector<1x1x1xf32>
    %div3A_62 = arith.constant 6.553600e+04 : f32
    %div3A_63 = arith.divf %reduce_sum3A_61, %div3A_62 : f32
    %mul3A_64 = arith.mulf %sub3A_5, %sub3A_13 : vector<2048x32xf32>
    %reduce_sum3A_65 = vector.shape_cast %mul3A_64 : vector<2048x32xf32> to vector<1x2048x32xf32>
    %reduce_sum3A_66 = arith.constant dense<0.000000e+00> : vector<1xf32>
    %reduce_sum3A_67 = vector.multi_reduction <add>, %reduce_sum3A_65, %reduce_sum3A_66 [1, 2] : vector<1x2048x32xf32> to vector<1xf32>
    %reduce_sum3A_68 = vector.shape_cast %reduce_sum3A_67 : vector<1xf32> to vector<1x1x1xf32>
    %reduce_sum3A_69 = vector.extract %reduce_sum3A_68[0, 0, 0] : f32 from vector<1x1x1xf32>
    %div3A_70 = arith.constant 6.553600e+04 : f32
    %div3A_71 = arith.divf %reduce_sum3A_69, %div3A_70 : f32
    %mul3A_72 = arith.mulf %sub3A_5, %sub3A_21 : vector<2048x32xf32>
    %reduce_sum3A_73 = vector.shape_cast %mul3A_72 : vector<2048x32xf32> to vector<1x2048x32xf32>
    %reduce_sum3A_74 = arith.constant dense<0.000000e+00> : vector<1xf32>
    %reduce_sum3A_75 = vector.multi_reduction <add>, %reduce_sum3A_73, %reduce_sum3A_74 [1, 2] : vector<1x2048x32xf32> to vector<1xf32>
    %reduce_sum3A_76 = vector.shape_cast %reduce_sum3A_75 : vector<1xf32> to vector<1x1x1xf32>
    %reduce_sum3A_77 = vector.extract %reduce_sum3A_76[0, 0, 0] : f32 from vector<1x1x1xf32>
    %div3A_78 = arith.constant 6.553600e+04 : f32
    %div3A_79 = arith.divf %reduce_sum3A_77, %div3A_78 : f32
    %mul3A_80 = arith.mulf %sub3A_13, %sub3A_21 : vector<2048x32xf32>
    %reduce_sum3A_81 = vector.shape_cast %mul3A_80 : vector<2048x32xf32> to vector<1x2048x32xf32>
    %reduce_sum3A_82 = arith.constant dense<0.000000e+00> : vector<1xf32>
    %reduce_sum3A_83 = vector.multi_reduction <add>, %reduce_sum3A_81, %reduce_sum3A_82 [1, 2] : vector<1x2048x32xf32> to vector<1xf32>
    %reduce_sum3A_84 = vector.shape_cast %reduce_sum3A_83 : vector<1xf32> to vector<1x1x1xf32>
    %reduce_sum3A_85 = vector.extract %reduce_sum3A_84[0, 0, 0] : f32 from vector<1x1x1xf32>
    %div3A_86 = arith.constant 6.553600e+04 : f32
    %div3A_87 = arith.divf %reduce_sum3A_85, %div3A_86 : f32
    %get3A_88 = arith.constant 0 : index
    %get3A_89 = arith.constant 0 : index
    %get3A_90 = vector.load %arg4[%get3A_88, %get3A_89] : memref<3x128xf32, #tpu.memory_space<vmem>>, vector<1x128xf32>
    %get3A_91 = arith.constant 1 : index
    %get3A_92 = arith.constant 0 : index
    %get3A_93 = vector.load %arg4[%get3A_91, %get3A_92] : memref<3x128xf32, #tpu.memory_space<vmem>>, vector<1x128xf32>
    %get3A_94 = arith.constant 2 : index
    %get3A_95 = arith.constant 0 : index
    %get3A_96 = vector.load %arg4[%get3A_94, %get3A_95] : memref<3x128xf32, #tpu.memory_space<vmem>>, vector<1x128xf32>
    %get3A_97 = arith.constant 0 : index
    %get3A_98 = arith.constant 0 : index
    %get3A_99 = vector.load %arg5[%get3A_97, %get3A_98] : memref<1x128xf32, #tpu.memory_space<vmem>>, vector<1x128xf32>
    %mul3A_100 = vector.broadcast %div3A_26 : f32 to vector<1x128xf32>
    %mul3A_101 = arith.mulf %mul3A_100, %get3A_90 : vector<1x128xf32>
    %mul3A_102 = vector.broadcast %div3A_33 : f32 to vector<1x128xf32>
    %mul3A_103 = arith.mulf %mul3A_102, %get3A_93 : vector<1x128xf32>
    %add3A = arith.addf %mul3A_101, %mul3A_103 : vector<1x128xf32>
    %mul3A_104 = vector.broadcast %div3A_40 : f32 to vector<1x128xf32>
    %mul3A_105 = arith.mulf %mul3A_104, %get3A_96 : vector<1x128xf32>
    %add3A_106 = arith.addf %add3A, %mul3A_105 : vector<1x128xf32>
    %add3A_107 = arith.addf %add3A_106, %get3A_99 : vector<1x128xf32>
    %mul3A_108 = vector.broadcast %div3A_47 : f32 to vector<1x128xf32>
    %mul3A_109 = arith.mulf %mul3A_108, %get3A_90 : vector<1x128xf32>
    %mul3A_110 = arith.mulf %mul3A_109, %get3A_90 : vector<1x128xf32>
    %mul3A_111 = vector.broadcast %div3A_55 : f32 to vector<1x128xf32>
    %mul3A_112 = arith.mulf %mul3A_111, %get3A_93 : vector<1x128xf32>
    %mul3A_113 = arith.mulf %mul3A_112, %get3A_93 : vector<1x128xf32>
    %add3A_114 = arith.addf %mul3A_110, %mul3A_113 : vector<1x128xf32>
    %mul3A_115 = vector.broadcast %div3A_63 : f32 to vector<1x128xf32>
    %mul3A_116 = arith.mulf %mul3A_115, %get3A_96 : vector<1x128xf32>
    %mul3A_117 = arith.mulf %mul3A_116, %get3A_96 : vector<1x128xf32>
    %add3A_118 = arith.addf %add3A_114, %mul3A_117 : vector<1x128xf32>
    %mul3A_119 = vector.broadcast %div3A_71 : f32 to vector<1x128xf32>
    %mul3A_120 = arith.mulf %mul3A_119, %get3A_90 : vector<1x128xf32>
    %mul3A_121 = arith.mulf %mul3A_120, %get3A_93 : vector<1x128xf32>
    %mul3A_122 = vector.broadcast %div3A_79 : f32 to vector<1x128xf32>
    %mul3A_123 = arith.mulf %mul3A_122, %get3A_90 : vector<1x128xf32>
    %mul3A_124 = arith.mulf %mul3A_123, %get3A_96 : vector<1x128xf32>
    %add3A_125 = arith.addf %mul3A_121, %mul3A_124 : vector<1x128xf32>
    %mul3A_126 = vector.broadcast %div3A_87 : f32 to vector<1x128xf32>
    %mul3A_127 = arith.mulf %mul3A_126, %get3A_93 : vector<1x128xf32>
    %mul3A_128 = arith.mulf %mul3A_127, %get3A_96 : vector<1x128xf32>
    %add3A_129 = arith.addf %add3A_125, %mul3A_128 : vector<1x128xf32>
    %mul3A_130 = arith.constant 2.000000e+00 : f32
    %mul3A_131 = vector.broadcast %mul3A_130 : f32 to vector<1x128xf32>
    %mul3A_132 = arith.mulf %mul3A_131, %add3A_129 : vector<1x128xf32>
    %add3A_133 = arith.addf %add3A_118, %mul3A_132 : vector<1x128xf32>
    %mul3A_134 = arith.constant 2.000000e+00 : f32
    %mul3A_135 = vector.broadcast %mul3A_134 : f32 to vector<1x128xf32>
    %mul3A_136 = arith.mulf %mul3A_135, %get3A_99 : vector<1x128xf32>
    %mul3A_137 = arith.mulf %mul3A_136, %add3A_106 : vector<1x128xf32>
    %add3A_138 = arith.addf %add3A_133, %mul3A_137 : vector<1x128xf32>
    %mul3A_139 = arith.mulf %get3A_99, %get3A_99 : vector<1x128xf32>
    %add3A_140 = arith.addf %add3A_138, %mul3A_139 : vector<1x128xf32>
    %mul3A_141 = arith.mulf %add3A_107, %add3A_107 : vector<1x128xf32>
    %sub3A_142 = arith.subf %add3A_140, %mul3A_141 : vector<1x128xf32>
    %get3A_143 = arith.constant 0 : index
    %get3A_144 = arith.constant 0 : index
    %get3A_145 = vector.load %arg6[%get3A_143, %get3A_144] : memref<1x128xf32, #tpu.memory_space<vmem>>, vector<1x128xf32>
    %add3A_146 = arith.constant 9.99999974E-6 : f32
    %add3A_147 = vector.broadcast %add3A_146 : f32 to vector<1x128xf32>
    %add3A_148 = arith.addf %sub3A_142, %add3A_147 : vector<1x128xf32>
    %rsqrt3A = math.rsqrt %add3A_148 : vector<1x128xf32>
    %mul3A_149 = arith.mulf %get3A_145, %rsqrt3A : vector<1x128xf32>
    %swap3A = arith.constant 0 : index
    %swap3A_150 = arith.constant 0 : index
    %swap3A_151 = vector.load %arg8[%swap3A, %swap3A_150] : memref<1x128xf32, #tpu.memory_space<vmem>>, vector<1x128xf32>
    tpu.vector_store %arg8[%swap3A, %swap3A_150], %mul3A_149 {strides = array<i32>} : memref<1x128xf32, #tpu.memory_space<vmem>>, vector<1x128xf32>,
    %get3A_152 = arith.constant 0 : index
    %get3A_153 = arith.constant 0 : index
    %get3A_154 = vector.load %arg7[%get3A_152, %get3A_153] : memref<1x128xf32, #tpu.memory_space<vmem>>, vector<1x128xf32>
    %mul3A_155 = arith.mulf %add3A_107, %mul3A_149 : vector<1x128xf32>
    %sub3A_156 = arith.subf %get3A_154, %mul3A_155 : vector<1x128xf32>
    %swap3A_157 = arith.constant 0 : index
    %swap3A_158 = arith.constant 0 : index
    %swap3A_159 = vector.load %arg9[%swap3A_157, %swap3A_158] : memref<1x128xf32, #tpu.memory_space<vmem>>, vector<1x128xf32>
    tpu.vector_store %arg9[%swap3A_157, %swap3A_158], %sub3A_156 {strides = array<i32>} : memref<1x128xf32, #tpu.memory_space<vmem>>, vector<1x128xf32>,
    return
  }
}

module attributes {stable_mosaic.version = 14 : i64} {
  func.func @_enc1_body(%arg0: i32, %arg1: memref<32x32xf32, #tpu.memory_space<vmem>>, %arg2: memref<32x32xf32, #tpu.memory_space<vmem>>, %arg3: memref<32x32xf32, #tpu.memory_space<vmem>>, %arg4: memref<32x16xf32, #tpu.memory_space<vmem>>, %arg5: memref<3x128xf32, #tpu.memory_space<vmem>>, %arg6: memref<1x128xf32, #tpu.memory_space<vmem>>, %arg7: memref<1x128xf32, #tpu.memory_space<vmem>>, %arg8: memref<128x256xf32, #tpu.memory_space<vmem>>, %arg9: memref<1x256xf32, #tpu.memory_space<vmem>>, %arg10: memref<512x512xf32, #tpu.memory_space<vmem>>, %arg11: memref<1x512xf32, #tpu.memory_space<vmem>>, %arg12: memref<1024x512xbf16, #tpu.memory_space<vmem>>, %arg13: memref<2x512xf32, #tpu.memory_space<vmem>>) attributes {dimension_semantics = [#tpu.dimension_semantics<arbitrary>], iteration_bounds = array<i64: 64>, scalar_prefetch = 0 : i64, scratch_operands = 0 : i64, tpu.core_type = #tpu.core_type<tc>, window_params = [{transform_indices = @transform_0, window_bounds = array<i64: 32, 32>}, {transform_indices = @transform_1, window_bounds = array<i64: 32, 32>}, {transform_indices = @transform_2, window_bounds = array<i64: 32, 32>}, {transform_indices = @transform_3, window_bounds = array<i64: 32, 16>}, {pipeline_mode = #tpu.pipeline_mode<synchronous>, transform_indices = @transform_4, window_bounds = array<i64: 3, 128>}, {pipeline_mode = #tpu.pipeline_mode<synchronous>, transform_indices = @transform_5, window_bounds = array<i64: 1, 128>}, {pipeline_mode = #tpu.pipeline_mode<synchronous>, transform_indices = @transform_6, window_bounds = array<i64: 1, 128>}, {pipeline_mode = #tpu.pipeline_mode<synchronous>, transform_indices = @transform_7, window_bounds = array<i64: 128, 256>}, {pipeline_mode = #tpu.pipeline_mode<synchronous>, transform_indices = @transform_8, window_bounds = array<i64: 1, 256>}, {pipeline_mode = #tpu.pipeline_mode<synchronous>, transform_indices = @transform_9, window_bounds = array<i64: 512, 512>}, {pipeline_mode = #tpu.pipeline_mode<synchronous>, transform_indices = @transform_10, window_bounds = array<i64: 1, 512>}, {transform_indices = @transform_11, window_bounds = array<i64: 1024, 512>}, {pipeline_mode = #tpu.pipeline_mode<synchronous>, transform_indices = @transform_12, window_bounds = array<i64: 2, 512>}]} {
    %get3A = arith.constant 0 : index
    %get3A_0 = arith.constant 0 : index
    %get3A_1 = vector.load %arg1[%get3A, %get3A_0] : memref<32x32xf32, #tpu.memory_space<vmem>>, vector<32x32xf32>
    %get3A_2 = arith.constant 0 : index
    %get3A_3 = arith.constant 0 : index
    %get3A_4 = vector.load %arg4[%get3A_2, %get3A_3] : memref<32x16xf32, #tpu.memory_space<vmem>>, vector<32x1xf32>
    %sub3A = vector.broadcast %get3A_4 : vector<32x1xf32> to vector<32x32xf32>
    %sub3A_5 = arith.subf %get3A_1, %sub3A : vector<32x32xf32>
    %get3A_6 = arith.constant 0 : index
    %get3A_7 = arith.constant 0 : index
    %get3A_8 = vector.load %arg2[%get3A_6, %get3A_7] : memref<32x32xf32, #tpu.memory_space<vmem>>, vector<32x32xf32>
    %get3A_9 = arith.constant 0 : index
    %get3A_10 = arith.constant 1 : index
    %get3A_11 = vector.load %arg4[%get3A_9, %get3A_10] : memref<32x16xf32, #tpu.memory_space<vmem>>, vector<32x1xf32>
    %sub3A_12 = vector.broadcast %get3A_11 : vector<32x1xf32> to vector<32x32xf32>
    %sub3A_13 = arith.subf %get3A_8, %sub3A_12 : vector<32x32xf32>
    %get3A_14 = arith.constant 0 : index
    %get3A_15 = arith.constant 0 : index
    %get3A_16 = vector.load %arg3[%get3A_14, %get3A_15] : memref<32x32xf32, #tpu.memory_space<vmem>>, vector<32x32xf32>
    %get3A_17 = arith.constant 0 : index
    %get3A_18 = arith.constant 2 : index
    %get3A_19 = vector.load %arg4[%get3A_17, %get3A_18] : memref<32x16xf32, #tpu.memory_space<vmem>>, vector<32x1xf32>
    %sub3A_20 = vector.broadcast %get3A_19 : vector<32x1xf32> to vector<32x32xf32>
    %sub3A_21 = arith.subf %get3A_16, %sub3A_20 : vector<32x32xf32>
    %get3A_22 = arith.constant 0 : index
    %get3A_23 = arith.constant 0 : index
    %get3A_24 = vector.load %arg5[%get3A_22, %get3A_23] : memref<3x128xf32, #tpu.memory_space<vmem>>, vector<1x128xf32>
    %reshape3A = vector.shape_cast %get3A_24 : vector<1x128xf32> to vector<1x1x128xf32>
    %get3A_25 = arith.constant 1 : index
    %get3A_26 = arith.constant 0 : index
    %get3A_27 = vector.load %arg5[%get3A_25, %get3A_26] : memref<3x128xf32, #tpu.memory_space<vmem>>, vector<1x128xf32>
    %reshape3A_28 = vector.shape_cast %get3A_27 : vector<1x128xf32> to vector<1x1x128xf32>
    %get3A_29 = arith.constant 2 : index
    %get3A_30 = arith.constant 0 : index
    %get3A_31 = vector.load %arg5[%get3A_29, %get3A_30] : memref<3x128xf32, #tpu.memory_space<vmem>>, vector<1x128xf32>
    %reshape3A_32 = vector.shape_cast %get3A_31 : vector<1x128xf32> to vector<1x1x128xf32>
    %broadcast_in_dim3A = vector.shape_cast %sub3A_5 : vector<32x32xf32> to vector<32x32x1xf32>
    %mul3A = vector.broadcast %broadcast_in_dim3A : vector<32x32x1xf32> to vector<32x32x128xf32>
    %mul3A_33 = vector.broadcast %reshape3A : vector<1x1x128xf32> to vector<32x32x128xf32>
    %mul3A_34 = arith.mulf %mul3A, %mul3A_33 : vector<32x32x128xf32>
    %broadcast_in_dim3A_35 = vector.shape_cast %sub3A_13 : vector<32x32xf32> to vector<32x32x1xf32>
    %mul3A_36 = vector.broadcast %broadcast_in_dim3A_35 : vector<32x32x1xf32> to vector<32x32x128xf32>
    %mul3A_37 = vector.broadcast %reshape3A_28 : vector<1x1x128xf32> to vector<32x32x128xf32>
    %mul3A_38 = arith.mulf %mul3A_36, %mul3A_37 : vector<32x32x128xf32>
    %add3A = arith.addf %mul3A_34, %mul3A_38 : vector<32x32x128xf32>
    %broadcast_in_dim3A_39 = vector.shape_cast %sub3A_21 : vector<32x32xf32> to vector<32x32x1xf32>
    %mul3A_40 = vector.broadcast %broadcast_in_dim3A_39 : vector<32x32x1xf32> to vector<32x32x128xf32>
    %mul3A_41 = vector.broadcast %reshape3A_32 : vector<1x1x128xf32> to vector<32x32x128xf32>
    %mul3A_42 = arith.mulf %mul3A_40, %mul3A_41 : vector<32x32x128xf32>
    %add3A_43 = arith.addf %add3A, %mul3A_42 : vector<32x32x128xf32>
    %reshape3A_44 = vector.shape_cast %add3A_43 : vector<32x32x128xf32> to vector<1024x128xf32>
    %get3A_45 = arith.constant 0 : index
    %get3A_46 = arith.constant 0 : index
    %get3A_47 = vector.load %arg6[%get3A_45, %get3A_46] : memref<1x128xf32, #tpu.memory_space<vmem>>, vector<1x128xf32>
    %mul3A_48 = vector.broadcast %get3A_47 : vector<1x128xf32> to vector<1024x128xf32>
    %mul3A_49 = arith.mulf %reshape3A_44, %mul3A_48 : vector<1024x128xf32>
    %get3A_50 = arith.constant 0 : index
    %get3A_51 = arith.constant 0 : index
    %get3A_52 = vector.load %arg7[%get3A_50, %get3A_51] : memref<1x128xf32, #tpu.memory_space<vmem>>, vector<1x128xf32>
    %add3A_53 = vector.broadcast %get3A_52 : vector<1x128xf32> to vector<1024x128xf32>
    %add3A_54 = arith.addf %mul3A_49, %add3A_53 : vector<1024x128xf32>
    %max3A = arith.constant 0.000000e+00 : f32
    %max3A_55 = vector.broadcast %max3A : f32 to vector<1024x128xf32>
    %max3A_56 = arith.maximumf %add3A_54, %max3A_55 : vector<1024x128xf32>
    %get3A_57 = arith.constant 0 : index
    %get3A_58 = arith.constant 0 : index
    %get3A_59 = vector.load %arg8[%get3A_57, %get3A_58] : memref<128x256xf32, #tpu.memory_space<vmem>>, vector<128x256xf32>
    %dot_general3A = arith.constant dense<0.000000e+00> : vector<1024x256xf32>
    %dot_general3A_60 = tpu.matmul %max3A_56, %get3A_59, %dot_general3A {dimension_numbers = #tpu.dot_dimension_numbers<[1], [0], [0], [1], [0, 0, 1, 1], [], []>, transpose_lhs_hint = false} : vector<1024x128xf32>, vector<128x256xf32>, vector<1024x256xf32> -> vector<1024x256xf32>
    %get3A_61 = arith.constant 0 : index
    %get3A_62 = arith.constant 0 : index
    %get3A_63 = vector.load %arg9[%get3A_61, %get3A_62] : memref<1x256xf32, #tpu.memory_space<vmem>>, vector<1x256xf32>
    %add3A_64 = vector.broadcast %get3A_63 : vector<1x256xf32> to vector<1024x256xf32>
    %add3A_65 = arith.addf %dot_general3A_60, %add3A_64 : vector<1024x256xf32>
    %reshape3A_66 = vector.shape_cast %add3A_65 : vector<1024x256xf32> to vector<32x32x256xf32>
    %reduce_max3A = arith.constant dense<0xFF800000> : vector<32x256xf32>
    %reduce_max3A_67 = vector.multi_reduction <maximumf>, %reshape3A_66, %reduce_max3A [1] : vector<32x32x256xf32> to vector<32x256xf32>
    %broadcast_in_dim3A_68 = vector.shape_cast %reduce_max3A_67 : vector<32x256xf32> to vector<32x1x256xf32>
    %broadcast_in_dim3A_69 = vector.shape_cast %broadcast_in_dim3A_68 : vector<32x1x256xf32> to vector<32x1x256xf32>
    %broadcast_in_dim3A_70 = vector.broadcast %broadcast_in_dim3A_69 : vector<32x1x256xf32> to vector<32x32x256xf32>
    %reshape3A_71 = vector.shape_cast %broadcast_in_dim3A_70 : vector<32x32x256xf32> to vector<1024x256xf32>
    %concatenate3A = tpu.concatenate %reshape3A_71, %add3A_65 in 1 : vector<1024x256xf32>, vector<1024x256xf32> -> vector<1024x512xf32>
    %get3A_72 = arith.constant 0 : index
    %get3A_73 = arith.constant 0 : index
    %get3A_74 = vector.load %arg10[%get3A_72, %get3A_73] : memref<512x512xf32, #tpu.memory_space<vmem>>, vector<512x512xf32>
    %dot_general3A_75 = arith.constant dense<0.000000e+00> : vector<1024x512xf32>
    %dot_general3A_76 = tpu.matmul %concatenate3A, %get3A_74, %dot_general3A_75 {dimension_numbers = #tpu.dot_dimension_numbers<[1], [0], [0], [1], [0, 0, 1, 1], [], []>, transpose_lhs_hint = false} : vector<1024x512xf32>, vector<512x512xf32>, vector<1024x512xf32> -> vector<1024x512xf32>
    %get3A_77 = arith.constant 0 : index
    %get3A_78 = arith.constant 0 : index
    %get3A_79 = vector.load %arg11[%get3A_77, %get3A_78] : memref<1x512xf32, #tpu.memory_space<vmem>>, vector<1x512xf32>
    %add3A_80 = vector.broadcast %get3A_79 : vector<1x512xf32> to vector<1024x512xf32>
    %add3A_81 = arith.addf %dot_general3A_76, %add3A_80 : vector<1024x512xf32>
    %convert_element_type3A = arith.truncf %add3A_81 : vector<1024x512xf32> to vector<1024x512xbf16>
    %swap3A = arith.constant 0 : index
    %swap3A_82 = arith.constant 0 : index
    %swap3A_83 = vector.load %arg12[%swap3A, %swap3A_82] : memref<1024x512xbf16, #tpu.memory_space<vmem>>, vector<1024x512xbf16>
    tpu.vector_store %arg12[%swap3A, %swap3A_82], %convert_element_type3A {strides = array<i32>} : memref<1024x512xbf16, #tpu.memory_space<vmem>>, vector<1024x512xbf16>,
    %reduce_sum3A = arith.constant dense<0.000000e+00> : vector<512xf32>
    %reduce_sum3A_84 = vector.multi_reduction <add>, %add3A_81, %reduce_sum3A [0] : vector<1024x512xf32> to vector<512xf32>
    %broadcast_in_dim3A_85 = vector.shape_cast %reduce_sum3A_84 : vector<512xf32> to vector<1x512xf32>
    %mul3A_86 = arith.mulf %add3A_81, %add3A_81 : vector<1024x512xf32>
    %reduce_sum3A_87 = arith.constant dense<0.000000e+00> : vector<512xf32>
    %reduce_sum3A_88 = vector.multi_reduction <add>, %mul3A_86, %reduce_sum3A_87 [0] : vector<1024x512xf32> to vector<512xf32>
    %broadcast_in_dim3A_89 = vector.shape_cast %reduce_sum3A_88 : vector<512xf32> to vector<1x512xf32>
    %concatenate3A_90 = tpu.concatenate %broadcast_in_dim3A_85, %broadcast_in_dim3A_89 in 0 : vector<1x512xf32>, vector<1x512xf32> -> vector<2x512xf32>
    %eq3A = arith.constant 0 : i32
    %eq3A_91 = arith.cmpi eq, %arg0, %eq3A : i32
    %convert_element_type3A_92 = arith.extui %eq3A_91 : i1 to i32
    %cond3A = arith.constant 0 : i32
    %cond3A_93 = arith.cmpi ne, %convert_element_type3A_92, %cond3A : i32
    scf.if %cond3A_93 {
      %swap3A_98 = arith.constant 0 : index
      %swap3A_99 = arith.constant 0 : index
      %swap3A_100 = vector.load %arg13[%swap3A_98, %swap3A_99] : memref<2x512xf32, #tpu.memory_space<vmem>>, vector<2x512xf32>
      tpu.vector_store %arg13[%swap3A_98, %swap3A_99], %concatenate3A_90 {strides = array<i32>} : memref<2x512xf32, #tpu.memory_space<vmem>>, vector<2x512xf32>,
    } else {
    }
    %ne3A = arith.constant 0 : i32
    %ne3A_94 = arith.cmpi ne, %arg0, %ne3A : i32
    %convert_element_type3A_95 = arith.extui %ne3A_94 : i1 to i32
    %cond3A_96 = arith.constant 0 : i32
    %cond3A_97 = arith.cmpi ne, %convert_element_type3A_95, %cond3A_96 : i32
    scf.if %cond3A_97 {
      %get3A_98 = arith.constant 0 : index
      %get3A_99 = arith.constant 0 : index
      %get3A_100 = vector.load %arg13[%get3A_98, %get3A_99] : memref<2x512xf32, #tpu.memory_space<vmem>>, vector<2x512xf32>
      %add3A_101 = arith.addf %get3A_100, %concatenate3A_90 : vector<2x512xf32>
      %swap3A_102 = arith.constant 0 : index
      %swap3A_103 = arith.constant 0 : index
      %swap3A_104 = vector.load %arg13[%swap3A_102, %swap3A_103] : memref<2x512xf32, #tpu.memory_space<vmem>>, vector<2x512xf32>
      tpu.vector_store %arg13[%swap3A_102, %swap3A_103], %add3A_101 {strides = array<i32>} : memref<2x512xf32, #tpu.memory_space<vmem>>, vector<2x512xf32>,
    } else {
    }
    return
  }
  func.func @transform_0(%arg0: i32) -> (i32, i32) {
    %c0_i32 = arith.constant 0 : i32
    %c0_i32_0 = arith.constant 0 : i32
    return %arg0, %c0_i32 : i32, i32
  }
  func.func @transform_1(%arg0: i32) -> (i32, i32) {
    %c0_i32 = arith.constant 0 : i32
    %c0_i32_0 = arith.constant 0 : i32
    return %arg0, %c0_i32 : i32, i32
  }
  func.func @transform_2(%arg0: i32) -> (i32, i32) {
    %c0_i32 = arith.constant 0 : i32
    %c0_i32_0 = arith.constant 0 : i32
    return %arg0, %c0_i32 : i32, i32
  }
  func.func @transform_3(%arg0: i32) -> (i32, i32) {
    %c0_i32 = arith.constant 0 : i32
    %c0_i32_0 = arith.constant 0 : i32
    return %arg0, %c0_i32 : i32, i32
  }
  func.func @transform_4(%arg0: i32) -> (i32, i32) {
    %c0_i32 = arith.constant 0 : i32
    %c0_i32_0 = arith.constant 0 : i32
    %c0_i32_1 = arith.constant 0 : i32
    return %c0_i32, %c0_i32_0 : i32, i32
  }
  func.func @transform_5(%arg0: i32) -> (i32, i32) {
    %c0_i32 = arith.constant 0 : i32
    %c0_i32_0 = arith.constant 0 : i32
    %c0_i32_1 = arith.constant 0 : i32
    return %c0_i32, %c0_i32_0 : i32, i32
  }
  func.func @transform_6(%arg0: i32) -> (i32, i32) {
    %c0_i32 = arith.constant 0 : i32
    %c0_i32_0 = arith.constant 0 : i32
    %c0_i32_1 = arith.constant 0 : i32
    return %c0_i32, %c0_i32_0 : i32, i32
  }
  func.func @transform_7(%arg0: i32) -> (i32, i32) {
    %c0_i32 = arith.constant 0 : i32
    %c0_i32_0 = arith.constant 0 : i32
    %c0_i32_1 = arith.constant 0 : i32
    return %c0_i32, %c0_i32_0 : i32, i32
  }
  func.func @transform_8(%arg0: i32) -> (i32, i32) {
    %c0_i32 = arith.constant 0 : i32
    %c0_i32_0 = arith.constant 0 : i32
    %c0_i32_1 = arith.constant 0 : i32
    return %c0_i32, %c0_i32_0 : i32, i32
  }
  func.func @transform_9(%arg0: i32) -> (i32, i32) {
    %c0_i32 = arith.constant 0 : i32
    %c0_i32_0 = arith.constant 0 : i32
    %c0_i32_1 = arith.constant 0 : i32
    return %c0_i32, %c0_i32_0 : i32, i32
  }
  func.func @transform_10(%arg0: i32) -> (i32, i32) {
    %c0_i32 = arith.constant 0 : i32
    %c0_i32_0 = arith.constant 0 : i32
    %c0_i32_1 = arith.constant 0 : i32
    return %c0_i32, %c0_i32_0 : i32, i32
  }
  func.func @transform_11(%arg0: i32) -> (i32, i32) {
    %c0_i32 = arith.constant 0 : i32
    %c0_i32_0 = arith.constant 0 : i32
    return %arg0, %c0_i32 : i32, i32
  }
  func.func @transform_12(%arg0: i32) -> (i32, i32) {
    %c0_i32 = arith.constant 0 : i32
    %c0_i32_0 = arith.constant 0 : i32
    %c0_i32_1 = arith.constant 0 : i32
    return %c0_i32, %c0_i32_0 : i32, i32
  }
}

module attributes {stable_mosaic.version = 14 : i64} {
  func.func @_enc2_body(%arg0: i32, %arg1: memref<1024x512xbf16, #tpu.memory_space<vmem>>, %arg2: memref<2x512xf32, #tpu.memory_space<vmem>>, %arg3: memref<1x512xf32, #tpu.memory_space<vmem>>, %arg4: memref<1x512xf32, #tpu.memory_space<vmem>>, %arg5: memref<512x256xf32, #tpu.memory_space<vmem>>, %arg6: memref<1x256xf32, #tpu.memory_space<vmem>>, %arg7: memref<32x256xf32, #tpu.memory_space<vmem>>) attributes {dimension_semantics = [#tpu.dimension_semantics<arbitrary>], iteration_bounds = array<i64: 64>, scalar_prefetch = 0 : i64, scratch_operands = 0 : i64, tpu.core_type = #tpu.core_type<tc>, window_params = [{transform_indices = @transform_0, window_bounds = array<i64: 1024, 512>}, {pipeline_mode = #tpu.pipeline_mode<synchronous>, transform_indices = @transform_1, window_bounds = array<i64: 2, 512>}, {pipeline_mode = #tpu.pipeline_mode<synchronous>, transform_indices = @transform_2, window_bounds = array<i64: 1, 512>}, {pipeline_mode = #tpu.pipeline_mode<synchronous>, transform_indices = @transform_3, window_bounds = array<i64: 1, 512>}, {pipeline_mode = #tpu.pipeline_mode<synchronous>, transform_indices = @transform_4, window_bounds = array<i64: 512, 256>}, {pipeline_mode = #tpu.pipeline_mode<synchronous>, transform_indices = @transform_5, window_bounds = array<i64: 1, 256>}, {transform_indices = @transform_6, window_bounds = array<i64: 32, 256>}]} {
    %get3A = arith.constant 0 : index
    %get3A_0 = arith.constant 0 : index
    %get3A_1 = vector.load %arg1[%get3A, %get3A_0] : memref<1024x512xbf16, #tpu.memory_space<vmem>>, vector<1024x512xbf16>
    %convert_element_type3A = arith.extf %get3A_1 : vector<1024x512xbf16> to vector<1024x512xf32>
    %get3A_2 = arith.constant 0 : index
    %get3A_3 = arith.constant 0 : index
    %get3A_4 = vector.load %arg2[%get3A_2, %get3A_3] : memref<2x512xf32, #tpu.memory_space<vmem>>, vector<1x512xf32>
    %div3A = arith.constant 6.553600e+04 : f32
    %div3A_5 = vector.broadcast %div3A : f32 to vector<1x512xf32>
    %div3A_6 = arith.divf %get3A_4, %div3A_5 : vector<1x512xf32>
    %get3A_7 = arith.constant 1 : index
    %get3A_8 = arith.constant 0 : index
    %get3A_9 = vector.load %arg2[%get3A_7, %get3A_8] : memref<2x512xf32, #tpu.memory_space<vmem>>, vector<1x512xf32>
    %div3A_10 = arith.constant 6.553600e+04 : f32
    %div3A_11 = vector.broadcast %div3A_10 : f32 to vector<1x512xf32>
    %div3A_12 = arith.divf %get3A_9, %div3A_11 : vector<1x512xf32>
    %mul3A = arith.mulf %div3A_6, %div3A_6 : vector<1x512xf32>
    %sub3A = arith.subf %div3A_12, %mul3A : vector<1x512xf32>
    %get3A_13 = arith.constant 0 : index
    %get3A_14 = arith.constant 0 : index
    %get3A_15 = vector.load %arg3[%get3A_13, %get3A_14] : memref<1x512xf32, #tpu.memory_space<vmem>>, vector<1x512xf32>
    %add3A = arith.constant 9.99999974E-6 : f32
    %add3A_16 = vector.broadcast %add3A : f32 to vector<1x512xf32>
    %add3A_17 = arith.addf %sub3A, %add3A_16 : vector<1x512xf32>
    %rsqrt3A = math.rsqrt %add3A_17 : vector<1x512xf32>
    %mul3A_18 = arith.mulf %get3A_15, %rsqrt3A : vector<1x512xf32>
    %get3A_19 = arith.constant 0 : index
    %get3A_20 = arith.constant 0 : index
    %get3A_21 = vector.load %arg4[%get3A_19, %get3A_20] : memref<1x512xf32, #tpu.memory_space<vmem>>, vector<1x512xf32>
    %mul3A_22 = arith.mulf %div3A_6, %mul3A_18 : vector<1x512xf32>
    %sub3A_23 = arith.subf %get3A_21, %mul3A_22 : vector<1x512xf32>
    %mul3A_24 = vector.broadcast %mul3A_18 : vector<1x512xf32> to vector<1024x512xf32>
    %mul3A_25 = arith.mulf %convert_element_type3A, %mul3A_24 : vector<1024x512xf32>
    %add3A_26 = vector.broadcast %sub3A_23 : vector<1x512xf32> to vector<1024x512xf32>
    %add3A_27 = arith.addf %mul3A_25, %add3A_26 : vector<1024x512xf32>
    %max3A = arith.constant 0.000000e+00 : f32
    %max3A_28 = vector.broadcast %max3A : f32 to vector<1024x512xf32>
    %max3A_29 = arith.maximumf %add3A_27, %max3A_28 : vector<1024x512xf32>
    %get3A_30 = arith.constant 0 : index
    %get3A_31 = arith.constant 0 : index
    %get3A_32 = vector.load %arg5[%get3A_30, %get3A_31] : memref<512x256xf32, #tpu.memory_space<vmem>>, vector<512x256xf32>
    %dot_general3A = arith.constant dense<0.000000e+00> : vector<1024x256xf32>
    %dot_general3A_33 = tpu.matmul %max3A_29, %get3A_32, %dot_general3A {dimension_numbers = #tpu.dot_dimension_numbers<[1], [0], [0], [1], [0, 0, 1, 1], [], []>, transpose_lhs_hint = false} : vector<1024x512xf32>, vector<512x256xf32>, vector<1024x256xf32> -> vector<1024x256xf32>
    %get3A_34 = arith.constant 0 : index
    %get3A_35 = arith.constant 0 : index
    %get3A_36 = vector.load %arg6[%get3A_34, %get3A_35] : memref<1x256xf32, #tpu.memory_space<vmem>>, vector<1x256xf32>
    %add3A_37 = vector.broadcast %get3A_36 : vector<1x256xf32> to vector<1024x256xf32>
    %add3A_38 = arith.addf %dot_general3A_33, %add3A_37 : vector<1024x256xf32>
    %reshape3A = vector.shape_cast %add3A_38 : vector<1024x256xf32> to vector<32x32x256xf32>
    %reduce_max3A = arith.constant dense<0xFF800000> : vector<32x256xf32>
    %reduce_max3A_39 = vector.multi_reduction <maximumf>, %reshape3A, %reduce_max3A [1] : vector<32x32x256xf32> to vector<32x256xf32>
    %swap3A = arith.constant 0 : index
    %swap3A_40 = arith.constant 0 : index
    %swap3A_41 = vector.load %arg7[%swap3A, %swap3A_40] : memref<32x256xf32, #tpu.memory_space<vmem>>, vector<32x256xf32>
    tpu.vector_store %arg7[%swap3A, %swap3A_40], %reduce_max3A_39 {strides = array<i32>} : memref<32x256xf32, #tpu.memory_space<vmem>>, vector<32x256xf32>,
    return
  }
  func.func @transform_0(%arg0: i32) -> (i32, i32) {
    %c0_i32 = arith.constant 0 : i32
    %c0_i32_0 = arith.constant 0 : i32
    return %arg0, %c0_i32 : i32, i32
  }
  func.func @transform_1(%arg0: i32) -> (i32, i32) {
    %c0_i32 = arith.constant 0 : i32
    %c0_i32_0 = arith.constant 0 : i32
    %c0_i32_1 = arith.constant 0 : i32
    return %c0_i32, %c0_i32_0 : i32, i32
  }
  func.func @transform_2(%arg0: i32) -> (i32, i32) {
    %c0_i32 = arith.constant 0 : i32
    %c0_i32_0 = arith.constant 0 : i32
    %c0_i32_1 = arith.constant 0 : i32
    return %c0_i32, %c0_i32_0 : i32, i32
  }
  func.func @transform_3(%arg0: i32) -> (i32, i32) {
    %c0_i32 = arith.constant 0 : i32
    %c0_i32_0 = arith.constant 0 : i32
    %c0_i32_1 = arith.constant 0 : i32
    return %c0_i32, %c0_i32_0 : i32, i32
  }
  func.func @transform_4(%arg0: i32) -> (i32, i32) {
    %c0_i32 = arith.constant 0 : i32
    %c0_i32_0 = arith.constant 0 : i32
    %c0_i32_1 = arith.constant 0 : i32
    return %c0_i32, %c0_i32_0 : i32, i32
  }
  func.func @transform_5(%arg0: i32) -> (i32, i32) {
    %c0_i32 = arith.constant 0 : i32
    %c0_i32_0 = arith.constant 0 : i32
    %c0_i32_1 = arith.constant 0 : i32
    return %c0_i32, %c0_i32_0 : i32, i32
  }
  func.func @transform_6(%arg0: i32) -> (i32, i32) {
    %c0_i32 = arith.constant 0 : i32
    %c0_i32_0 = arith.constant 0 : i32
    return %arg0, %c0_i32 : i32, i32
  }
}

module attributes {stable_mosaic.version = 14 : i64} {
  func.func @_vq_body(%arg0: i32, %arg1: memref<2048x256xf32, #tpu.memory_space<vmem>>, %arg2: memref<256x512xf32, #tpu.memory_space<vmem>>, %arg3: memref<2048x1xf32, #tpu.memory_space<vmem>>, %arg4: memref<2048x1xi32, #tpu.memory_space<vmem>>) attributes {dimension_semantics = [#tpu.dimension_semantics<arbitrary>], iteration_bounds = array<i64: 16>, scalar_prefetch = 0 : i64, scratch_operands = 0 : i64, tpu.core_type = #tpu.core_type<tc>, window_params = [{pipeline_mode = #tpu.pipeline_mode<synchronous>, transform_indices = @transform_0, window_bounds = array<i64: 2048, 256>}, {transform_indices = @transform_1, window_bounds = array<i64: 256, 512>}, {pipeline_mode = #tpu.pipeline_mode<synchronous>, transform_indices = @transform_2, window_bounds = array<i64: 2048, 1>}, {pipeline_mode = #tpu.pipeline_mode<synchronous>, transform_indices = @transform_3, window_bounds = array<i64: 2048, 1>}]} {
    %get3A = arith.constant 0 : index
    %get3A_0 = arith.constant 0 : index
    %get3A_1 = vector.load %arg2[%get3A, %get3A_0] : memref<256x512xf32, #tpu.memory_space<vmem>>, vector<256x512xf32>
    %mul3A = arith.mulf %get3A_1, %get3A_1 : vector<256x512xf32>
    %reduce_sum3A = arith.constant dense<0.000000e+00> : vector<512xf32>
    %reduce_sum3A_2 = vector.multi_reduction <add>, %mul3A, %reduce_sum3A [0] : vector<256x512xf32> to vector<512xf32>
    %broadcast_in_dim3A = vector.shape_cast %reduce_sum3A_2 : vector<512xf32> to vector<1x512xf32>
    %get3A_3 = arith.constant 0 : index
    %get3A_4 = arith.constant 0 : index
    %get3A_5 = vector.load %arg1[%get3A_3, %get3A_4] : memref<2048x256xf32, #tpu.memory_space<vmem>>, vector<2048x256xf32>
    %dot_general3A = arith.constant dense<0.000000e+00> : vector<2048x512xf32>
    %dot_general3A_6 = tpu.matmul %get3A_5, %get3A_1, %dot_general3A {dimension_numbers = #tpu.dot_dimension_numbers<[1], [0], [0], [1], [0, 0, 1, 1], [], []>, transpose_lhs_hint = false} : vector<2048x256xf32>, vector<256x512xf32>, vector<2048x512xf32> -> vector<2048x512xf32>
    %mul3A_7 = arith.constant 2.000000e+00 : f32
    %mul3A_8 = vector.broadcast %mul3A_7 : f32 to vector<2048x512xf32>
    %mul3A_9 = arith.mulf %mul3A_8, %dot_general3A_6 : vector<2048x512xf32>
    %sub3A = vector.broadcast %broadcast_in_dim3A : vector<1x512xf32> to vector<2048x512xf32>
    %sub3A_10 = arith.subf %sub3A, %mul3A_9 : vector<2048x512xf32>
    %reduce_min3A = arith.constant dense<0x7F800000> : vector<2048xf32>
    %reduce_min3A_11 = vector.multi_reduction <minimumf>, %sub3A_10, %reduce_min3A [1] : vector<2048x512xf32> to vector<2048xf32>
    %broadcast_in_dim3A_12 = vector.shape_cast %reduce_min3A_11 : vector<2048xf32> to vector<2048x1xf32>
    %iota3A = tpu.iota {dimensions = array<i32: 1>} : vector<2048x512xi32>
    %eq3A = vector.broadcast %broadcast_in_dim3A_12 : vector<2048x1xf32> to vector<2048x512xf32>
    %eq3A_13 = arith.cmpf oeq, %sub3A_10, %eq3A : vector<2048x512xf32>
    %jit3A = arith.constant 1073741824 : i32
    %broadcast_in_dim3A_14 = vector.broadcast %jit3A : i32 to vector<2048x512xi32>
    %select_n3A = arith.select %eq3A_13, %iota3A, %broadcast_in_dim3A_14 : vector<2048x512xi1>, vector<2048x512xi32>
    %reduce_min3A_15 = arith.constant dense<2147483647> : vector<2048xi32>
    %reduce_min3A_16 = vector.multi_reduction <minsi>, %select_n3A, %reduce_min3A_15 [1] : vector<2048x512xi32> to vector<2048xi32>
    %broadcast_in_dim3A_17 = vector.shape_cast %reduce_min3A_16 : vector<2048xi32> to vector<2048x1xi32>
    %mul3A_18 = arith.constant 512 : i32
    %mul3A_19 = arith.muli %arg0, %mul3A_18 : i32
    %add3A = vector.broadcast %mul3A_19 : i32 to vector<2048x1xi32>
    %add3A_20 = arith.addi %broadcast_in_dim3A_17, %add3A : vector<2048x1xi32>
    %eq3A_21 = arith.constant 0 : i32
    %eq3A_22 = arith.cmpi eq, %arg0, %eq3A_21 : i32
    %convert_element_type3A = arith.extui %eq3A_22 : i1 to i32
    %cond3A = arith.constant 0 : i32
    %cond3A_23 = arith.cmpi ne, %convert_element_type3A, %cond3A : i32
    scf.if %cond3A_23 {
      %swap3A = arith.constant 0 : index
      %swap3A_28 = arith.constant 0 : index
      %swap3A_29 = vector.load %arg3[%swap3A, %swap3A_28] : memref<2048x1xf32, #tpu.memory_space<vmem>>, vector<2048x1xf32>
      tpu.vector_store %arg3[%swap3A, %swap3A_28], %broadcast_in_dim3A_12 {strides = array<i32>} : memref<2048x1xf32, #tpu.memory_space<vmem>>, vector<2048x1xf32>,
      %swap3A_30 = arith.constant 0 : index
      %swap3A_31 = arith.constant 0 : index
      %swap3A_32 = vector.load %arg4[%swap3A_30, %swap3A_31] : memref<2048x1xi32, #tpu.memory_space<vmem>>, vector<2048x1xi32>
      tpu.vector_store %arg4[%swap3A_30, %swap3A_31], %add3A_20 {strides = array<i32>} : memref<2048x1xi32, #tpu.memory_space<vmem>>, vector<2048x1xi32>,
    } else {
    }
    %ne3A = arith.constant 0 : i32
    %ne3A_24 = arith.cmpi ne, %arg0, %ne3A : i32
    %convert_element_type3A_25 = arith.extui %ne3A_24 : i1 to i32
    %cond3A_26 = arith.constant 0 : i32
    %cond3A_27 = arith.cmpi ne, %convert_element_type3A_25, %cond3A_26 : i32
    scf.if %cond3A_27 {
      %get3A_28 = arith.constant 0 : index
      %get3A_29 = arith.constant 0 : index
      %get3A_30 = vector.load %arg3[%get3A_28, %get3A_29] : memref<2048x1xf32, #tpu.memory_space<vmem>>, vector<2048x1xf32>
      %lt3A = arith.cmpf olt, %broadcast_in_dim3A_12, %get3A_30 : vector<2048x1xf32>
      %get3A_31 = arith.constant 0 : index
      %get3A_32 = arith.constant 0 : index
      %get3A_33 = vector.load %arg3[%get3A_31, %get3A_32] : memref<2048x1xf32, #tpu.memory_space<vmem>>, vector<2048x1xf32>
      %select_n3A_34 = arith.select %lt3A, %broadcast_in_dim3A_12, %get3A_33 : vector<2048x1xi1>, vector<2048x1xf32>
      %swap3A = arith.constant 0 : index
      %swap3A_35 = arith.constant 0 : index
      %swap3A_36 = vector.load %arg3[%swap3A, %swap3A_35] : memref<2048x1xf32, #tpu.memory_space<vmem>>, vector<2048x1xf32>
      tpu.vector_store %arg3[%swap3A, %swap3A_35], %select_n3A_34 {strides = array<i32>} : memref<2048x1xf32, #tpu.memory_space<vmem>>, vector<2048x1xf32>,
      %get3A_37 = arith.constant 0 : index
      %get3A_38 = arith.constant 0 : index
      %get3A_39 = vector.load %arg4[%get3A_37, %get3A_38] : memref<2048x1xi32, #tpu.memory_space<vmem>>, vector<2048x1xi32>
      %select_n3A_40 = arith.select %lt3A, %add3A_20, %get3A_39 : vector<2048x1xi1>, vector<2048x1xi32>
      %swap3A_41 = arith.constant 0 : index
      %swap3A_42 = arith.constant 0 : index
      %swap3A_43 = vector.load %arg4[%swap3A_41, %swap3A_42] : memref<2048x1xi32, #tpu.memory_space<vmem>>, vector<2048x1xi32>
      tpu.vector_store %arg4[%swap3A_41, %swap3A_42], %select_n3A_40 {strides = array<i32>} : memref<2048x1xi32, #tpu.memory_space<vmem>>, vector<2048x1xi32>,
    } else {
    }
    return
  }
  func.func @transform_0(%arg0: i32) -> (i32, i32) {
    %c0_i32 = arith.constant 0 : i32
    %c0_i32_0 = arith.constant 0 : i32
    %c0_i32_1 = arith.constant 0 : i32
    return %c0_i32, %c0_i32_0 : i32, i32
  }
  func.func @transform_1(%arg0: i32) -> (i32, i32) {
    %c0_i32 = arith.constant 0 : i32
    %c0_i32_0 = arith.constant 0 : i32
    return %c0_i32, %arg0 : i32, i32
  }
  func.func @transform_2(%arg0: i32) -> (i32, i32) {
    %c0_i32 = arith.constant 0 : i32
    %c0_i32_0 = arith.constant 0 : i32
    %c0_i32_1 = arith.constant 0 : i32
    return %c0_i32, %c0_i32_0 : i32, i32
  }
  func.func @transform_3(%arg0: i32) -> (i32, i32) {
    %c0_i32 = arith.constant 0 : i32
    %c0_i32_0 = arith.constant 0 : i32
    %c0_i32_1 = arith.constant 0 : i32
    return %c0_i32, %c0_i32_0 : i32, i32
  }
}

module attributes {stable_mosaic.version = 14 : i64} {
  func.func @_dec_body(%arg0: i32, %arg1: memref<256x256xf32, #tpu.memory_space<vmem>>, %arg2: memref<256x32xf32, #tpu.memory_space<vmem>>, %arg3: memref<256x32xf32, #tpu.memory_space<vmem>>, %arg4: memref<256x32xf32, #tpu.memory_space<vmem>>, %arg5: memref<256x16xf32, #tpu.memory_space<vmem>>, %arg6: memref<256x512xf32, #tpu.memory_space<vmem>>, %arg7: memref<1x512xf32, #tpu.memory_space<vmem>>, %arg8: memref<512x256xf32, #tpu.memory_space<vmem>>, %arg9: memref<1x256xf32, #tpu.memory_space<vmem>>, %arg10: memref<256x32xf32, #tpu.memory_space<vmem>>, %arg11: memref<256x32xf32, #tpu.memory_space<vmem>>, %arg12: memref<256x32xf32, #tpu.memory_space<vmem>>, %arg13: memref<1x32xf32, #tpu.memory_space<vmem>>, %arg14: memref<1x32xf32, #tpu.memory_space<vmem>>, %arg15: memref<1x32xf32, #tpu.memory_space<vmem>>, %arg16: memref<1x1xf32, #tpu.memory_space<vmem>>) attributes {dimension_semantics = [#tpu.dimension_semantics<arbitrary>], iteration_bounds = array<i64: 8>, scalar_prefetch = 0 : i64, scratch_operands = 0 : i64, tpu.core_type = #tpu.core_type<tc>, window_params = [{transform_indices = @transform_0, window_bounds = array<i64: 256, 256>}, {transform_indices = @transform_1, window_bounds = array<i64: 256, 32>}, {transform_indices = @transform_2, window_bounds = array<i64: 256, 32>}, {transform_indices = @transform_3, window_bounds = array<i64: 256, 32>}, {transform_indices = @transform_4, window_bounds = array<i64: 256, 16>}, {pipeline_mode = #tpu.pipeline_mode<synchronous>, transform_indices = @transform_5, window_bounds = array<i64: 256, 512>}, {pipeline_mode = #tpu.pipeline_mode<synchronous>, transform_indices = @transform_6, window_bounds = array<i64: 1, 512>}, {pipeline_mode = #tpu.pipeline_mode<synchronous>, transform_indices = @transform_7, window_bounds = array<i64: 512, 256>}, {pipeline_mode = #tpu.pipeline_mode<synchronous>, transform_indices = @transform_8, window_bounds = array<i64: 1, 256>}, {pipeline_mode = #tpu.pipeline_mode<synchronous>, transform_indices = @transform_9, window_bounds = array<i64: 256, 32>}, {pipeline_mode = #tpu.pipeline_mode<synchronous>, transform_indices = @transform_10, window_bounds = array<i64: 256, 32>}, {pipeline_mode = #tpu.pipeline_mode<synchronous>, transform_indices = @transform_11, window_bounds = array<i64: 256, 32>}, {pipeline_mode = #tpu.pipeline_mode<synchronous>, transform_indices = @transform_12, window_bounds = array<i64: 1, 32>}, {pipeline_mode = #tpu.pipeline_mode<synchronous>, transform_indices = @transform_13, window_bounds = array<i64: 1, 32>}, {pipeline_mode = #tpu.pipeline_mode<synchronous>, transform_indices = @transform_14, window_bounds = array<i64: 1, 32>}, {pipeline_mode = #tpu.pipeline_mode<synchronous>, transform_indices = @transform_15, window_bounds = array<i64: 1, 1>}]} {
    %get3A = arith.constant 0 : index
    %get3A_0 = arith.constant 0 : index
    %get3A_1 = vector.load %arg1[%get3A, %get3A_0] : memref<256x256xf32, #tpu.memory_space<vmem>>, vector<256x256xf32>
    %get3A_2 = arith.constant 0 : index
    %get3A_3 = arith.constant 0 : index
    %get3A_4 = vector.load %arg6[%get3A_2, %get3A_3] : memref<256x512xf32, #tpu.memory_space<vmem>>, vector<256x512xf32>
    %dot_general3A = arith.constant dense<0.000000e+00> : vector<256x512xf32>
    %dot_general3A_5 = tpu.matmul %get3A_1, %get3A_4, %dot_general3A {dimension_numbers = #tpu.dot_dimension_numbers<[1], [0], [0], [1], [0, 0, 1, 1], [], []>, transpose_lhs_hint = false} : vector<256x256xf32>, vector<256x512xf32>, vector<256x512xf32> -> vector<256x512xf32>
    %get3A_6 = arith.constant 0 : index
    %get3A_7 = arith.constant 0 : index
    %get3A_8 = vector.load %arg7[%get3A_6, %get3A_7] : memref<1x512xf32, #tpu.memory_space<vmem>>, vector<1x512xf32>
    %add3A = vector.broadcast %get3A_8 : vector<1x512xf32> to vector<256x512xf32>
    %add3A_9 = arith.addf %dot_general3A_5, %add3A : vector<256x512xf32>
    %max3A = arith.constant 0.000000e+00 : f32
    %max3A_10 = vector.broadcast %max3A : f32 to vector<256x512xf32>
    %max3A_11 = arith.maximumf %add3A_9, %max3A_10 : vector<256x512xf32>
    %get3A_12 = arith.constant 0 : index
    %get3A_13 = arith.constant 0 : index
    %get3A_14 = vector.load %arg8[%get3A_12, %get3A_13] : memref<512x256xf32, #tpu.memory_space<vmem>>, vector<512x256xf32>
    %dot_general3A_15 = arith.constant dense<0.000000e+00> : vector<256x256xf32>
    %dot_general3A_16 = tpu.matmul %max3A_11, %get3A_14, %dot_general3A_15 {dimension_numbers = #tpu.dot_dimension_numbers<[1], [0], [0], [1], [0, 0, 1, 1], [], []>, transpose_lhs_hint = false} : vector<256x512xf32>, vector<512x256xf32>, vector<256x256xf32> -> vector<256x256xf32>
    %get3A_17 = arith.constant 0 : index
    %get3A_18 = arith.constant 0 : index
    %get3A_19 = vector.load %arg9[%get3A_17, %get3A_18] : memref<1x256xf32, #tpu.memory_space<vmem>>, vector<1x256xf32>
    %add3A_20 = vector.broadcast %get3A_19 : vector<1x256xf32> to vector<256x256xf32>
    %add3A_21 = arith.addf %dot_general3A_16, %add3A_20 : vector<256x256xf32>
    %max3A_22 = arith.constant 0.000000e+00 : f32
    %max3A_23 = vector.broadcast %max3A_22 : f32 to vector<256x256xf32>
    %max3A_24 = arith.maximumf %add3A_21, %max3A_23 : vector<256x256xf32>
    %get3A_25 = arith.constant 0 : index
    %get3A_26 = arith.constant 0 : index
    %get3A_27 = vector.load %arg10[%get3A_25, %get3A_26] : memref<256x32xf32, #tpu.memory_space<vmem>>, vector<256x32xf32>
    %dot_general3A_28 = arith.constant dense<0.000000e+00> : vector<256x32xf32>
    %dot_general3A_29 = tpu.matmul %max3A_24, %get3A_27, %dot_general3A_28 {dimension_numbers = #tpu.dot_dimension_numbers<[1], [0], [0], [1], [0, 0, 1, 1], [], []>, transpose_lhs_hint = false} : vector<256x256xf32>, vector<256x32xf32>, vector<256x32xf32> -> vector<256x32xf32>
    %get3A_30 = arith.constant 0 : index
    %get3A_31 = arith.constant 0 : index
    %get3A_32 = vector.load %arg13[%get3A_30, %get3A_31] : memref<1x32xf32, #tpu.memory_space<vmem>>, vector<1x32xf32>
    %add3A_33 = vector.broadcast %get3A_32 : vector<1x32xf32> to vector<256x32xf32>
    %add3A_34 = arith.addf %dot_general3A_29, %add3A_33 : vector<256x32xf32>
    %get3A_35 = arith.constant 0 : index
    %get3A_36 = arith.constant 0 : index
    %get3A_37 = vector.load %arg11[%get3A_35, %get3A_36] : memref<256x32xf32, #tpu.memory_space<vmem>>, vector<256x32xf32>
    %dot_general3A_38 = arith.constant dense<0.000000e+00> : vector<256x32xf32>
    %dot_general3A_39 = tpu.matmul %max3A_24, %get3A_37, %dot_general3A_38 {dimension_numbers = #tpu.dot_dimension_numbers<[1], [0], [0], [1], [0, 0, 1, 1], [], []>, transpose_lhs_hint = false} : vector<256x256xf32>, vector<256x32xf32>, vector<256x32xf32> -> vector<256x32xf32>
    %get3A_40 = arith.constant 0 : index
    %get3A_41 = arith.constant 0 : index
    %get3A_42 = vector.load %arg14[%get3A_40, %get3A_41] : memref<1x32xf32, #tpu.memory_space<vmem>>, vector<1x32xf32>
    %add3A_43 = vector.broadcast %get3A_42 : vector<1x32xf32> to vector<256x32xf32>
    %add3A_44 = arith.addf %dot_general3A_39, %add3A_43 : vector<256x32xf32>
    %get3A_45 = arith.constant 0 : index
    %get3A_46 = arith.constant 0 : index
    %get3A_47 = vector.load %arg12[%get3A_45, %get3A_46] : memref<256x32xf32, #tpu.memory_space<vmem>>, vector<256x32xf32>
    %dot_general3A_48 = arith.constant dense<0.000000e+00> : vector<256x32xf32>
    %dot_general3A_49 = tpu.matmul %max3A_24, %get3A_47, %dot_general3A_48 {dimension_numbers = #tpu.dot_dimension_numbers<[1], [0], [0], [1], [0, 0, 1, 1], [], []>, transpose_lhs_hint = false} : vector<256x256xf32>, vector<256x32xf32>, vector<256x32xf32> -> vector<256x32xf32>
    %get3A_50 = arith.constant 0 : index
    %get3A_51 = arith.constant 0 : index
    %get3A_52 = vector.load %arg15[%get3A_50, %get3A_51] : memref<1x32xf32, #tpu.memory_space<vmem>>, vector<1x32xf32>
    %add3A_53 = vector.broadcast %get3A_52 : vector<1x32xf32> to vector<256x32xf32>
    %add3A_54 = arith.addf %dot_general3A_49, %add3A_53 : vector<256x32xf32>
    %get3A_55 = arith.constant 0 : index
    %get3A_56 = arith.constant 0 : index
    %get3A_57 = vector.load %arg2[%get3A_55, %get3A_56] : memref<256x32xf32, #tpu.memory_space<vmem>>, vector<256x32xf32>
    %get3A_58 = arith.constant 0 : index
    %get3A_59 = arith.constant 0 : index
    %get3A_60 = vector.load %arg5[%get3A_58, %get3A_59] : memref<256x16xf32, #tpu.memory_space<vmem>>, vector<256x1xf32>
    %sub3A = vector.broadcast %get3A_60 : vector<256x1xf32> to vector<256x32xf32>
    %sub3A_61 = arith.subf %get3A_57, %sub3A : vector<256x32xf32>
    %get3A_62 = arith.constant 0 : index
    %get3A_63 = arith.constant 0 : index
    %get3A_64 = vector.load %arg3[%get3A_62, %get3A_63] : memref<256x32xf32, #tpu.memory_space<vmem>>, vector<256x32xf32>
    %get3A_65 = arith.constant 0 : index
    %get3A_66 = arith.constant 1 : index
    %get3A_67 = vector.load %arg5[%get3A_65, %get3A_66] : memref<256x16xf32, #tpu.memory_space<vmem>>, vector<256x1xf32>
    %sub3A_68 = vector.broadcast %get3A_67 : vector<256x1xf32> to vector<256x32xf32>
    %sub3A_69 = arith.subf %get3A_64, %sub3A_68 : vector<256x32xf32>
    %get3A_70 = arith.constant 0 : index
    %get3A_71 = arith.constant 0 : index
    %get3A_72 = vector.load %arg4[%get3A_70, %get3A_71] : memref<256x32xf32, #tpu.memory_space<vmem>>, vector<256x32xf32>
    %get3A_73 = arith.constant 0 : index
    %get3A_74 = arith.constant 2 : index
    %get3A_75 = vector.load %arg5[%get3A_73, %get3A_74] : memref<256x16xf32, #tpu.memory_space<vmem>>, vector<256x1xf32>
    %sub3A_76 = vector.broadcast %get3A_75 : vector<256x1xf32> to vector<256x32xf32>
    %sub3A_77 = arith.subf %get3A_72, %sub3A_76 : vector<256x32xf32>
    %broadcast_in_dim3A = vector.shape_cast %add3A_34 : vector<256x32xf32> to vector<256x32x1xf32>
    %broadcast_in_dim3A_78 = vector.shape_cast %sub3A_61 : vector<256x32xf32> to vector<256x1x32xf32>
    %sub3A_79 = vector.broadcast %broadcast_in_dim3A : vector<256x32x1xf32> to vector<256x32x32xf32>
    %sub3A_80 = vector.broadcast %broadcast_in_dim3A_78 : vector<256x1x32xf32> to vector<256x32x32xf32>
    %sub3A_81 = arith.subf %sub3A_79, %sub3A_80 : vector<256x32x32xf32>
    %broadcast_in_dim3A_82 = vector.shape_cast %add3A_44 : vector<256x32xf32> to vector<256x32x1xf32>
    %broadcast_in_dim3A_83 = vector.shape_cast %sub3A_69 : vector<256x32xf32> to vector<256x1x32xf32>
    %sub3A_84 = vector.broadcast %broadcast_in_dim3A_82 : vector<256x32x1xf32> to vector<256x32x32xf32>
    %sub3A_85 = vector.broadcast %broadcast_in_dim3A_83 : vector<256x1x32xf32> to vector<256x32x32xf32>
    %sub3A_86 = arith.subf %sub3A_84, %sub3A_85 : vector<256x32x32xf32>
    %broadcast_in_dim3A_87 = vector.shape_cast %add3A_54 : vector<256x32xf32> to vector<256x32x1xf32>
    %broadcast_in_dim3A_88 = vector.shape_cast %sub3A_77 : vector<256x32xf32> to vector<256x1x32xf32>
    %sub3A_89 = vector.broadcast %broadcast_in_dim3A_87 : vector<256x32x1xf32> to vector<256x32x32xf32>
    %sub3A_90 = vector.broadcast %broadcast_in_dim3A_88 : vector<256x1x32xf32> to vector<256x32x32xf32>
    %sub3A_91 = arith.subf %sub3A_89, %sub3A_90 : vector<256x32x32xf32>
    %mul3A = arith.mulf %sub3A_81, %sub3A_81 : vector<256x32x32xf32>
    %mul3A_92 = arith.mulf %sub3A_86, %sub3A_86 : vector<256x32x32xf32>
    %add3A_93 = arith.addf %mul3A, %mul3A_92 : vector<256x32x32xf32>
    %mul3A_94 = arith.mulf %sub3A_91, %sub3A_91 : vector<256x32x32xf32>
    %add3A_95 = arith.addf %add3A_93, %mul3A_94 : vector<256x32x32xf32>
    %reduce_min3A = arith.constant dense<0x7F800000> : vector<256x32xf32>
    %reduce_min3A_96 = vector.multi_reduction <minimumf>, %add3A_95, %reduce_min3A [2] : vector<256x32x32xf32> to vector<256x32xf32>
    %reduce_sum3A = vector.shape_cast %reduce_min3A_96 : vector<256x32xf32> to vector<1x256x32xf32>
    %reduce_sum3A_97 = arith.constant dense<0.000000e+00> : vector<1xf32>
    %reduce_sum3A_98 = vector.multi_reduction <add>, %reduce_sum3A, %reduce_sum3A_97 [1, 2] : vector<1x256x32xf32> to vector<1xf32>
    %reduce_sum3A_99 = vector.shape_cast %reduce_sum3A_98 : vector<1xf32> to vector<1x1x1xf32>
    %reduce_sum3A_100 = vector.extract %reduce_sum3A_99[0, 0, 0] : f32 from vector<1x1x1xf32>
    %reduce_min3A_101 = arith.constant dense<0x7F800000> : vector<256x32xf32>
    %reduce_min3A_102 = vector.multi_reduction <minimumf>, %add3A_95, %reduce_min3A_101 [1] : vector<256x32x32xf32> to vector<256x32xf32>
    %reduce_sum3A_103 = vector.shape_cast %reduce_min3A_102 : vector<256x32xf32> to vector<1x256x32xf32>
    %reduce_sum3A_104 = arith.constant dense<0.000000e+00> : vector<1xf32>
    %reduce_sum3A_105 = vector.multi_reduction <add>, %reduce_sum3A_103, %reduce_sum3A_104 [1, 2] : vector<1x256x32xf32> to vector<1xf32>
    %reduce_sum3A_106 = vector.shape_cast %reduce_sum3A_105 : vector<1xf32> to vector<1x1x1xf32>
    %reduce_sum3A_107 = vector.extract %reduce_sum3A_106[0, 0, 0] : f32 from vector<1x1x1xf32>
    %add3A_108 = arith.addf %reduce_sum3A_100, %reduce_sum3A_107 : f32
    %div3A = arith.constant 6.553600e+04 : f32
    %div3A_109 = arith.divf %add3A_108, %div3A : f32
    %reshape3A = vector.broadcast %div3A_109 : f32 to vector<1x1xf32>
    %eq3A = arith.constant 0 : i32
    %eq3A_110 = arith.cmpi eq, %arg0, %eq3A : i32
    %convert_element_type3A = arith.extui %eq3A_110 : i1 to i32
    %cond3A = arith.constant 0 : i32
    %cond3A_111 = arith.cmpi ne, %convert_element_type3A, %cond3A : i32
    scf.if %cond3A_111 {
      %swap3A = arith.constant 0 : index
      %swap3A_116 = arith.constant 0 : index
      %swap3A_117 = vector.load %arg16[%swap3A, %swap3A_116] : memref<1x1xf32, #tpu.memory_space<vmem>>, vector<1x1xf32>
      tpu.vector_store %arg16[%swap3A, %swap3A_116], %reshape3A {strides = array<i32>} : memref<1x1xf32, #tpu.memory_space<vmem>>, vector<1x1xf32>,
    } else {
    }
    %ne3A = arith.constant 0 : i32
    %ne3A_112 = arith.cmpi ne, %arg0, %ne3A : i32
    %convert_element_type3A_113 = arith.extui %ne3A_112 : i1 to i32
    %cond3A_114 = arith.constant 0 : i32
    %cond3A_115 = arith.cmpi ne, %convert_element_type3A_113, %cond3A_114 : i32
    scf.if %cond3A_115 {
      %get3A_116 = arith.constant 0 : index
      %get3A_117 = arith.constant 0 : index
      %get3A_118 = vector.load %arg16[%get3A_116, %get3A_117] : memref<1x1xf32, #tpu.memory_space<vmem>>, vector<1x1xf32>
      %add3A_119 = arith.addf %get3A_118, %reshape3A : vector<1x1xf32>
      %swap3A = arith.constant 0 : index
      %swap3A_120 = arith.constant 0 : index
      %swap3A_121 = vector.load %arg16[%swap3A, %swap3A_120] : memref<1x1xf32, #tpu.memory_space<vmem>>, vector<1x1xf32>
      tpu.vector_store %arg16[%swap3A, %swap3A_120], %add3A_119 {strides = array<i32>} : memref<1x1xf32, #tpu.memory_space<vmem>>, vector<1x1xf32>,
    } else {
    }
    return
  }
  func.func @transform_0(%arg0: i32) -> (i32, i32) {
    %c0_i32 = arith.constant 0 : i32
    %c0_i32_0 = arith.constant 0 : i32
    return %arg0, %c0_i32 : i32, i32
  }
  func.func @transform_1(%arg0: i32) -> (i32, i32) {
    %c0_i32 = arith.constant 0 : i32
    %c0_i32_0 = arith.constant 0 : i32
    return %arg0, %c0_i32 : i32, i32
  }
  func.func @transform_2(%arg0: i32) -> (i32, i32) {
    %c0_i32 = arith.constant 0 : i32
    %c0_i32_0 = arith.constant 0 : i32
    return %arg0, %c0_i32 : i32, i32
  }
  func.func @transform_3(%arg0: i32) -> (i32, i32) {
    %c0_i32 = arith.constant 0 : i32
    %c0_i32_0 = arith.constant 0 : i32
    return %arg0, %c0_i32 : i32, i32
  }
  func.func @transform_4(%arg0: i32) -> (i32, i32) {
    %c0_i32 = arith.constant 0 : i32
    %c0_i32_0 = arith.constant 0 : i32
    return %arg0, %c0_i32 : i32, i32
  }
  func.func @transform_5(%arg0: i32) -> (i32, i32) {
    %c0_i32 = arith.constant 0 : i32
    %c0_i32_0 = arith.constant 0 : i32
    %c0_i32_1 = arith.constant 0 : i32
    return %c0_i32, %c0_i32_0 : i32, i32
  }
  func.func @transform_6(%arg0: i32) -> (i32, i32) {
    %c0_i32 = arith.constant 0 : i32
    %c0_i32_0 = arith.constant 0 : i32
    %c0_i32_1 = arith.constant 0 : i32
    return %c0_i32, %c0_i32_0 : i32, i32
  }
  func.func @transform_7(%arg0: i32) -> (i32, i32) {
    %c0_i32 = arith.constant 0 : i32
    %c0_i32_0 = arith.constant 0 : i32
    %c0_i32_1 = arith.constant 0 : i32
    return %c0_i32, %c0_i32_0 : i32, i32
  }
  func.func @transform_8(%arg0: i32) -> (i32, i32) {
    %c0_i32 = arith.constant 0 : i32
    %c0_i32_0 = arith.constant 0 : i32
    %c0_i32_1 = arith.constant 0 : i32
    return %c0_i32, %c0_i32_0 : i32, i32
  }
  func.func @transform_9(%arg0: i32) -> (i32, i32) {
    %c0_i32 = arith.constant 0 : i32
    %c0_i32_0 = arith.constant 0 : i32
    %c0_i32_1 = arith.constant 0 : i32
    return %c0_i32, %c0_i32_0 : i32, i32
  }
  func.func @transform_10(%arg0: i32) -> (i32, i32) {
    %c0_i32 = arith.constant 0 : i32
    %c0_i32_0 = arith.constant 0 : i32
    %c0_i32_1 = arith.constant 0 : i32
    return %c0_i32, %c0_i32_0 : i32, i32
  }
  func.func @transform_11(%arg0: i32) -> (i32, i32) {
    %c0_i32 = arith.constant 0 : i32
    %c0_i32_0 = arith.constant 0 : i32
    %c0_i32_1 = arith.constant 0 : i32
    return %c0_i32, %c0_i32_0 : i32, i32
  }
  func.func @transform_12(%arg0: i32) -> (i32, i32) {
    %c0_i32 = arith.constant 0 : i32
    %c0_i32_0 = arith.constant 0 : i32
    %c0_i32_1 = arith.constant 0 : i32
    return %c0_i32, %c0_i32_0 : i32, i32
  }
  func.func @transform_13(%arg0: i32) -> (i32, i32) {
    %c0_i32 = arith.constant 0 : i32
    %c0_i32_0 = arith.constant 0 : i32
    %c0_i32_1 = arith.constant 0 : i32
    return %c0_i32, %c0_i32_0 : i32, i32
  }
  func.func @transform_14(%arg0: i32) -> (i32, i32) {
    %c0_i32 = arith.constant 0 : i32
    %c0_i32_0 = arith.constant 0 : i32
    %c0_i32_1 = arith.constant 0 : i32
    return %c0_i32, %c0_i32_0 : i32, i32
  }
  func.func @transform_15(%arg0: i32) -> (i32, i32) {
    %c0_i32 = arith.constant 0 : i32
    %c0_i32_0 = arith.constant 0 : i32
    %c0_i32_1 = arith.constant 0 : i32
    return %c0_i32, %c0_i32_0 : i32, i32
  }
}

</mosaic_0001>

<sc_bundles>
// kernel: kernel.10.cloned.1.call-start
scs
__scs_entry_jumppad:
0x0: {  	(pc) =	sbr.rel $0x88, $3  }
0x1: {  	(tag) =	ssettag $0x0;
	lr =	simm.s32 $0x1  }
0x2: {  	[smem:$0x3F8D] =	sst lr;
	_ =	strace $0xD0000000  }
0x3: {  	_ = 	snop  }
0x4: {  	_ = 	snop  }
0x5: {  	_ = 	snop  }
0x6: {  	_ = 	snop  }
0x7: {  	_ = 	snop  }
__scs_overlays_trampoline_lowered:
0x8: {  	[smem:$0x3F9C] =	sst s0  }
0x9: {  	[smem:$0x3F9D] =	sst s1  }
0xa: {  	[smem:$0x3F9E] =	sst s2  }
0xb: {  	[smem:$0x3F9F] =	sst s3  }
0xc: {  	[smem:$0x3FA0] =	sst s4  }
0xd: {  	[smem:$0x3FA1] =	sst s5  }
0xe: {  	[smem:$0x3FA2] =	sst s6  }
0xf: {  	[smem:$0x3FA3] =	sst s7  }
0x10: {  	[smem:$0x3FA4] =	sst s8  }
0x11: {  	[smem:$0x3FA5] =	sst s9;
	s0 =	simm.s32 @!p0 $0x0  }
0x12: {  	s1 =	sld [smem:$0x3F8B];
	s0 =	simm.s32 @p0 $0x1  }
0x13: {  	[smem:$0x3FA6] =	sst s0;
	s0 =	simm.s32 @!p1 $0x0  }
0x14: {  	s2 =	sld [smem:$0x3F8A];
	s0 =	simm.s32 @p1 $0x1  }
0x15: {  	[smem:$0x3FA7] =	sst s0;
	s0 =	simm.s32 @!p2 $0x0  }
0x16: {  	s3 =	sld [smem:$0x3FDB];
	s0 =	simm.s32 @p2 $0x1  }
0x17: {  	s4 =	simm.s32 $0x1BF5;
	[smem:$0x3FA9] =	sst s0  }
0x18: {  	s0 =	sld [smem:$0x3F8C];
	_ =	swait.ge [sflag:s4], $0x0  }
0x19: {  	s7 =	sld [smem:$0x3F8D]  }
0x1a: {  	s8 =	sadd.s32 $0xFFFFE003, lr  }
0x1b: {  	s9 =	sadd.s32 $0xFFFFFEF7, lr;
	s5 =	simm.s32 $0xFFFFFFFF;
	p2 =	slt.u32 s8, $0xFFFFF086  }
0x1c: {  	p1 =	slt.u32 s9, $0xF7A;
	s5 =	simm.s32 @!p2 $0x0  }
0x1d: {  	s5 =	simm.s32 @p1 $0x1;
	p0 =	seq.s32 s7, s2  }
0x1e: {  	s7 =	smul.u32 @!p0 $0xF7A, s2;
	p2 =	seq.s32 @!p0 s5, $0x0  }
0x1f: {  	s9 =	smul.u32 $0xF7A, s1;
	s8 =	simm.s32 @!p0 $0x1BF5;
	p2 =	por !p2, p0  }
0x20: {  	[sflag:s8] =	ssyncset.s32 @!p0 $0xFFFFF086;
	s6 =	sadd.s32 @!p0 s3, s7;
	s7 =	simm.s32 @!p0 $0x108  }
0x21: {  	s3 =	sadd.s32 s3, s9;
	s6 =	sadd.s32 @!p0 $0x88, s6;
	s7 =	simm.s32 @p2 $0x1082  }
0x22: {  	[simem:s7], [sflag:s8] =	dma.local @!p0 [hbm:s6], $0xF7A  }
0x23: {  	s9 =	sor.u32 $0xD0000000, s2;
	s6 =	simm.s32 $0x108;
	_ =	swait.ge @!p0 [sflag:s8], $0x0  }
0x24: {  	s3 =	sadd.s32 $0x88, s3;
	s6 =	simm.s32 @!p1 $0x1082;
	[sflag:s4] =	ssyncset.s32 $0xFFFFF086  }
0x25: {  	[simem:s6], [sflag:s4] =	dma.local [hbm:s3], $0xF7A  }
0x26: {  	[smem:$0x3F8D] =	sst s1;
	(tag) =	ssettag s2;
	_ =	strace s9  }
0x27: {  	s1 =	sld [smem:$0x3F9D]  }
0x28: {  	s2 =	sld [smem:$0x3F9E]  }
0x29: {  	s4 =	sld [smem:$0x3FA0]  }
0x2a: {  	p0 =	seq.s32 s5, $0x0;
	s5 =	sld [smem:$0x3FA1]  }
0x2b: {  	s6 =	sld [smem:$0x3FA2]  }
0x2c: {  	s7 =	sld [smem:$0x3FA3]  }
0x2d: {  	s3 =	simm.s32 $0x108;
	s8 =	sld [smem:$0x3FA4]  }
0x2e: {  	s3 =	simm.s32 @!p0 $0x1082;
	s9 =	sld [smem:$0x3FA5]  }
0x2f: {  	lr =	sadd.s32 s0, s3;
	s0 =	sld [smem:$0x3F9C]  }
0x30: {  	s3 =	sld [smem:$0x3F9F]  }
0x31: {  	[smem:$0x3FA8] =	sst s10  }
0x32: {  	s10 =	sld [smem:$0x3FA6];
	_ =	sdelay $0x3  }
0x33: {  	p0 =	seq.s32 s10, $0x1;
	s10 =	sld [smem:$0x3FA8];
	_ =	sdelay $0x3  }
0x34: {  	[smem:$0x3FA8] =	sst s10  }
0x35: {  	s10 =	sld [smem:$0x3FA7];
	_ =	sdelay $0x3  }
0x36: {  	p1 =	seq.s32 s10, $0x1;
	s10 =	sld [smem:$0x3FA8];
	_ =	sdelay $0x3  }
0x37: {  	[smem:$0x3FA8] =	sst s10  }
0x38: {  	s10 =	sld [smem:$0x3FA9]  }
0x39: {  	_ = 	snop;
	(pc) =	sbr.ind lr, $3  }
0x3a: {  	_ = 	snop  }
0x3b: {  	_ = 	snop  }
0x3c: {  	p2 =	seq.s32 s10, $0x1;
	s10 =	sld [smem:$0x3FA8]  }
0x3d: {  	_ =	shalt  }
0x3e: {  	_ =	shalt  }
0x3f: {  	_ =	shalt  }
0x40: {  	_ =	shalt  }
0x41: {  	_ =	shalt  }
0x42: {  	_ =	shalt  }
0x43: {  	_ =	shalt  }
0x44: {  	_ =	shalt  }
0x45: {  	_ =	shalt  }
0x46: {  	_ =	shalt  }
0x47: {  	_ =	shalt  }
0x48: {  	_ =	shalt  }
0x49: {  	_ =	shalt  }
0x4a: {  	_ =	shalt  }
0x4b: {  	_ =	shalt  }
0x4c: {  	_ =	shalt  }
0x4d: {  	_ =	shalt  }
0x4e: {  	_ =	shalt  }
0x4f: {  	_ =	shalt  }
0x50: {  	_ =	shalt  }
0x51: {  	_ =	shalt  }
0x52: {  	_ =	shalt  }
0x53: {  	_ =	shalt  }
0x54: {  	_ =	shalt  }
0x55: {  	_ =	shalt  }
0x56: {  	_ =	shalt  }
0x57: {  	_ =	shalt  }
0x58: {  	_ =	shalt  }
0x59: {  	_ =	shalt  }
0x5a: {  	_ =	shalt  }
0x5b: {  	_ =	shalt  }
0x5c: {  	_ =	shalt  }
0x5d: {  	_ =	shalt  }
0x5e: {  	_ =	shalt  }
0x5f: {  	_ =	shalt  }
0x60: {  	_ =	shalt  }
0x61: {  	_ =	shalt  }
0x62: {  	_ =	shalt  }
0x63: {  	_ =	shalt  }
0x64: {  	_ =	shalt  }
0x65: {  	_ =	shalt  }
0x66: {  	_ =	shalt  }
0x67: {  	_ =	shalt  }
0x68: {  	_ =	shalt  }
0x69: {  	_ =	shalt  }
0x6a: {  	_ =	shalt  }
0x6b: {  	_ =	shalt  }
0x6c: {  	_ =	shalt  }
0x6d: {  	_ =	shalt  }
0x6e: {  	_ =	shalt  }
0x6f: {  	_ =	shalt  }
0x70: {  	_ =	shalt  }
0x71: {  	_ =	shalt  }
0x72: {  	_ =	shalt  }
0x73: {  	_ =	shalt  }
0x74: {  	_ =	shalt  }
0x75: {  	_ =	shalt  }
0x76: {  	_ =	shalt  }
0x77: {  	_ =	shalt  }
0x78: {  	_ =	shalt  }
0x79: {  	_ =	shalt  }
0x7a: {  	_ =	shalt  }
0x7b: {  	_ =	shalt  }
0x7c: {  	_ =	shalt  }
0x7d: {  	_ =	shalt  }
0x7e: {  	_ =	shalt  }
0x7f: {  	_ =	shalt  }
0x80: {  	_ =	shalt  }
0x81: {  	_ =	shalt  }
0x82: {  	_ =	shalt  }
0x83: {  	_ =	shalt  }
0x84: {  	_ =	shalt  }
0x85: {  	_ =	shalt  }
0x86: {  	_ =	shalt  }
0x87: {  	_ =	shalt  }
.Lfunc_end0:
.L_simem_size_0:
called_computation_lowered:
.L_overlay_start_0:
0x88: {  	s2 =	sld [smem:$0x3FD9]  }
0x89: {  	s3 =	sld [smem:$0x3FFE];
	_ =	sdelay $0x1  }
0x8a: {  	s1 =	srdreg.scid  }
0x8b: {  	s0 =	sand.u32 $0x1, s1  }
0x8c: {  	s16 =	sshll.u32 s0, $0xA;
	s2 =	sadd.s32 s3, s2  }
0x8d: {  	s2 =	sadd.s32 s2, s16  }
0x8e: {  	[smem:$0x3FB4] =	sst s2  }
0x8f: {  	_ = 	snop  }
0x90: {  	(tm) =	ssettm $0x1  }
0x91: {  	s17 =	sld [smem:$0x3FFB];
	_ =	sdelay $0x3  }
0x92: {  	_ =	strace s17  }
0x93: {  	s2 =	sld [smem:$0x3FFC];
	_ =	sdelay $0x3  }
0x94: {  	_ =	strace s2  }
0x95: {  	s2 =	sld [smem:$0x3FFD];
	_ =	sdelay $0x3  }
0x96: {  	_ =	strace s2  }
0x97: {  	_ =	strace $0x8FFFFFFF  }
0x98: {  	s18 =	sld [smem:$0x3FDB];
	_ =	sdelay $0x1  }
0x99: {  	s19 =	simm.s32 $_scs_section_size  }
0x9a: {  	s4 =	simm.s32 $_size__tile_overlayer_lowered;
	s5 =	simm.s32 $_tile_overlayer_lowered  }
0x9b: {  	s22 =	simm.s32 $0x1BFF;
	s21 =	sshll.u32 s5, $0x1;
	s2 =	sadd.s32 s19, s18  }
0x9c: {  	s6 =	simm.s32 $0x0;
	s20 =	sshll.u32 s4, $0x1;
	s4 =	sadd.s32 s21, s2  }
0x9d: {  	[timem:s6], [sflag:s22] =	dma.local [hbm:s4], s20  }
0x9e: {  	_ =	swait.ge [sflag:s22], s20  }
0x9f: {  	s3 =	ssub.s32 $0x0, s20;
	[sflag:s22] =	ssyncset.done $0x0  }
0xa0: {  	[sflag:s22] =	ssyncadd.s32 s3;
	_ =	sdelay $0x1  }
0xa1: {  	s23 =	simm.s32 $0x1B8B  }
0xa2: {  	_ =	swait.ge [sflag:s23], $0x1  }
0xa3: {  	[sflag:s23] =	ssyncset.done $0x0  }
0xa4: {  	s25 =	simm.s32 $0x1B8E;
	s24 =	sld [smem:$0x3FFE];
	[sflag:s23] =	ssyncadd.s32 $0xFFFFFFFF  }
0xa5: {  	s26 =	simm.s32 $execute0_lowered;
	[smem:$0x3FD2] =	sst s25  }
0xa6: {  	s4 =	sshll.u32 s26, $0x1;
	_ =	strace $0x80000046;
	[dreg:$0x1] =	wrdreg $0xFFFFFFFF  }
0xa7: {  	s28 =	simm.s32 $_size_execute0_lowered;
	s2 =	sadd.s32 s2, s4;
	[dreg:$0x0] =	wrdreg $0x0  }
0xa8: {  	s4 =	sshll.u32 s28, $0x1;
	[dreg:$0x2] =	wrdreg s2  }
0xa9: {  	[dreg:$0x3] =	wrdreg s4  }
0xaa: {  	[dreg:$0x4] =	wrdreg $0xC0  }
0xab: {  	_ =	task [dreg:s6], $0x5FFFF  }
0xac: {  	[dreg:$0x1] =	wrdreg $0xFFFFFFFF  }
0xad: {  	[dreg:$0x0] =	wrdreg $0x60  }
0xae: {  	[dreg:$0x2] =	wrdreg s24  }
0xaf: {  	[dreg:$0x3] =	wrdreg $0x9  }
0xb0: {  	_ =	task.clear_ibuf [dreg:s6], $0x4FFFF;
	_ =	strace $0x90000046  }
0xb1: {  	s29 =	simm.s32 $0x9;
	_ =	strace $0x80000048  }
0xb2: {  	_ =	swait.ge [sflag:s29], $0x1  }
0xb3: {  	[sflag:s29] =	ssyncadd.s32 $0xFFFFFFFF  }
0xb4: {  	_ =	strace $0x90000048  }
0xb5: {  	_ =	sfence  }
0xb6: {  	s30 =	sld [smem:$0x0];
	_ =	sdelay $0x2  }
0xb7: {  	s31 =	sshll.u32 s1, $0xD;
	s1 =	sshrl.u32 s1, $0x2  }
0xb8: {  	s3 =	sand.u32 $0x4000, s31;
	s1 =	sadd.s32 s1, s30  }
0xb9: {  	s0 =	sor.u32 s3, s0;
	s1 =	sshll.u32 s1, $0x11  }
0xba: {  	s0 =	sor.u32 s1, s0  }
0xbb: {  	s0 =	sadd.s32 $0x8F2B, s0  }
0xbc: {  	[sflag:s0] =	ssyncadd.remote.s32 $0x1  }
0xbd: {  	_ =	sfence.sel $0xFFFF  }
0xbe: {  	[dreg:$0x0] =	wrdreg $0xFFFFFFFF;
	(pc) =	sbr.abs _section_cstart, $3  }
0xbf: {  	[dreg:$0x1] =	wrdreg $0xFFFFFFFF  }
0xc0: {  	_ =	task.clear_ibuf [dreg:s6], $0x2FFFF;
	_ =	strace $0x9FFFFFFF  }
0xc1: {  	(tm) =	ssettm $0x7FFFFFFF  }
tec
execute0_lowered:
.L_overlay_start_1:
0x0: {  	(tag) =	ssettag $0x1  }
0x1: {  	s1 =	srdreg.scid;
	s0 =	stileid.u32  }
0x2: {  	s2 =	simm.s32 $0x1;
	s6 =	rddreg [dreg:$0x0];
	s12 =	simm.s32 $0x80  }
0x3: {  	s13 =	simm.s32 $0x400;
	s4 =	sand.u32 $0x1, s1;
	s30 =	sshll.u32 s0, $0x1  }
0x4: {  	s14 =	simm.s32 $0x800;
	s15 =	simm.s32 $0x1000;
	s5 =	sor.u32 s4, s30  }
0x5: {  	s16 =	simm.s32 $0x1800;
	p1 =	seq.s32 s4, $0x1;
	p0 =	seq.s32 s5, $0x0  }
0x6: {  	s17 =	simm.s32 $0x2000;
	s18 =	simm.s32 $0x2800;
	p0 =	por !p0, !p1  }
0x7: {  	s19 =	simm.s32 $0x3000;
	s20 =	simm.s32 $0x0;
	p0 =	por !p0, !p0  }
0x8: {  	s1 =	rddreg [dreg:$0x1];
	s4 =	ssub.s32 $0x2, s4;
	s2 =	simm.s32 @!p0 $0x0  }
0x9: {  	s5 =	sshll.u32 s5, $0x8;
	s31 =	sshrl.u32 s4, $0x1;
	s3 =	ssub.s32 s0, s2  }
0xa: {  	s10 =	sadd.s32 s5, s6;
	s7 =	sshll.u32 s3, $0xB;
	s3 =	sshll.u32 s3, $0x7  }
0xb: {  	s11 =	ssub.s32 s4, s31;
	s7 =	sand.u32 $0xFFFFC000, s7;
	s8 =	sand.u32 $0x380, s3  }
0xc: {  	s9 =	sadd.s32 $0xAE00, s10;
	s2 =	simm.s32 $0x0;
	s7 =	sor.u32 s8, s7  }
0xd: {  	s11 =	smax.u32 s11, $0x1;
	[smem:$0x7FF] =	sst s2;
	s7 =	sshrl.u32 s7, $0x3  }
0xe: {  	_ =	strace $0x80000047;
	s3 =	simm.s32 $0x1;
	s7 =	sadd.s32 s7, s6  }
0xf: {  	s8 =	sadd.s32 $0x8E00, s10;
	s4 =	sadd.s32 $0x3E00, s7;
	s5 =	sadd.s32 $0x5E00, s7  }
0x10: {  	s6 =	sadd.s32 $0x4E00, s7;
	s7 =	sadd.s32 $0x6E00, s10;
	s10 =	sadd.s32 $0xCE00, s10  }
.LBB2_1:
0x11: {  	[tilespmem:s2], [sflag:$0x1] =	stream.strided.gather [hbm4b:s4+s12], $0x800, s13, s12, $0x38;
	[tilespmem:$0x3800] =	vst v63  }
0x12: {  	_ =	swait.ge [sflag:s3], $0x800  }
0x13: {  	[sflag:s3] =	ssyncset.done $0x0  }
0x14: {  	[sflag:s3] =	ssyncadd.s32 $0xFFFFF800  }
0x15: {  	[tilespmem:s14], [sflag:$0x1] =	stream.strided.gather [hbm4b:s5+s12], $0x800, s13, s12, $0x38;
	[tilespmem:$0x3800] =	vst v63  }
0x16: {  	_ =	swait.ge [sflag:s3], $0x800  }
0x17: {  	[sflag:s3] =	ssyncset.done $0x0  }
0x18: {  	[sflag:s3] =	ssyncadd.s32 $0xFFFFF800  }
0x19: {  	[tilespmem:s15], [sflag:$0x1] =	stream.strided.gather [hbm4b:s6+s12], $0x800, s13, s12, $0x38;
	[tilespmem:$0x3800] =	vst v63  }
0x1a: {  	_ =	swait.ge [sflag:s3], $0x800  }
0x1b: {  	[sflag:s3] =	ssyncset.done $0x0  }
0x1c: {  	[sflag:s3] =	ssyncadd.s32 $0xFFFFF800  }
0x1d: {  	[tilespmem:s16], [sflag:$0x1] =	stream.linear.gather [hbm4b:s7+s2], $0x800, $0x38;
	[tilespmem:$0x3800] =	vst v63  }
0x1e: {  	_ =	swait.ge [sflag:s3], $0x800  }
0x1f: {  	[sflag:s3] =	ssyncset.done $0x0  }
0x20: {  	s21 =	simm.s32 $0x0;
	[sflag:s3] =	ssyncadd.s32 $0xFFFFF800  }
0x21: {  	v0 =	vld [tilespmem:s21+$0x1800];
	_ =	sdelay $0x7  }
0x22: {  	v1 =	vld.idx.msk [tilespmem:v0+s2+$0x0], $0xffff;
	_ =	sdelay $0x4  }
0x23: {  	[tilespmem:s21+$0x2000] =	vst v1  }
0x24: {  	v1 =	vld.idx.msk [tilespmem:v0+s14+$0x0], $0xffff;
	_ =	sdelay $0x3  }
0x25: {  	s23 =	simm.s32 $0x10;
	s22 =	simm.s32 $0x80  }
.LBB2_2:
0x26: {  	p0 =	sne.s32 s22, $0x1FC0;
	v2 =	vld [tilespmem:s23+$0x1800];
	[tilespmem:s21+$0x2800] =	vst v1  }
0x27: {  	v1 =	vld.idx.msk [tilespmem:v0+s15+$0x0], $0xffff;
	_ =	sdelay $0x3  }
0x28: {  	v0 =	vmov v2;
	_ =	sdelay $0x1  }
0x29: {  	[tilespmem:s21+$0x3000] =	vst v1;
	s21 =	smov.u32 s23  }
0x2a: {  	v1 =	vld.idx.msk [tilespmem:v2+s2+$0x0], $0xffff;
	_ =	sdelay $0x5  }
0x2b: {  	[tilespmem:s21+$0x2000] =	vst v1  }
0x2c: {  	v1 =	vld.idx.msk [tilespmem:v2+s14+$0x0], $0xffff  }
.Ltmp0:
0x2d: {  	(pc) =	sbr.rel @p0 .LBB2_2-.Ltmp0, $2  }
0x2e: {  	_ =	sdelay $0x2  }
0x2f: {  	s23 =	sshra.s32 s22, $0x2;
	s22 =	sadd.s32 $0x40, s22  }
0x30: {  	_ =	sdelay $0x1  }
0x31: {  	v2 =	vld [tilespmem:s23+$0x1800]  }
0x32: {  	[tilespmem:s21+$0x2800] =	vst v1  }
0x33: {  	v0 =	vld.idx.msk [tilespmem:v0+s15+$0x0], $0xffff;
	_ =	sdelay $0x4  }
0x34: {  	[tilespmem:s21+$0x3000] =	vst v0  }
0x35: {  	v0 =	vld.idx.msk [tilespmem:v2+s2+$0x0], $0xffff;
	_ =	sdelay $0x4  }
0x36: {  	[tilespmem:s23+$0x2000] =	vst v0  }
0x37: {  	v0 =	vld.idx.msk [tilespmem:v2+s14+$0x0], $0xffff;
	_ =	sdelay $0x4  }
0x38: {  	[tilespmem:s23+$0x2800] =	vst v0  }
0x39: {  	v0 =	vld.idx.msk [tilespmem:v2+s15+$0x0], $0xffff;
	_ =	sdelay $0x4  }
0x3a: {  	[tilespmem:s23+$0x3000] =	vst v0  }
0x3b: {  	[hbm4b:s8+s2] =	stream.linear.scatter [tilespmem:s17], [sflag:$0x1], $0x800, $0x38;
	[tilespmem:$0x3800] =	vst v63  }
0x3c: {  	_ =	swait.ge [sflag:s3], $0x800  }
0x3d: {  	[sflag:s3] =	ssyncset.done $0x0  }
0x3e: {  	[sflag:s3] =	ssyncadd.s32 $0xFFFFF800  }
0x3f: {  	[hbm4b:s9+s2] =	stream.linear.scatter [tilespmem:s18], [sflag:$0x1], $0x800, $0x38;
	[tilespmem:$0x3800] =	vst v63  }
0x40: {  	s20 =	sadd.s32 $0x1, s20;
	_ =	swait.ge [sflag:s3], $0x800  }
0x41: {  	p0 =	sne.s32 s20, s11;
	[sflag:s3] =	ssyncset.done $0x0  }
.Ltmp1:
0x42: {  	[sflag:s3] =	ssyncadd.s32 $0xFFFFF800;
	(pc) =	sbr.rel @p0 .LBB2_1-.Ltmp1, $4  }
0x43: {  	[hbm4b:s10+s2] =	stream.linear.scatter [tilespmem:s19], [sflag:$0x1], $0x800, $0x38;
	[tilespmem:$0x3800] =	vst v63  }
0x44: {  	_ =	swait.ge [sflag:s3], $0x800  }
0x45: {  	[sflag:s3] =	ssyncset.done $0x0  }
0x46: {  	[sflag:s3] =	ssyncadd.s32 $0xFFFFF800  }
0x47: {  	_ =	sfence.sel $0x180000  }
0x48: {  	[bflag:$0x0] =	sbarrier.arrive $0xFFFF  }
0x49: {  	p0 =	sne.s32 s0, $0x0;
	_ =	strace $0x90000047  }
0x4a: {  	s0 =	sadd.s32 @!p0 $0x100000, s1;
	[bflag:$0x2] =	sbarrier.arrive $0xFFFF  }
0x4b: {  	[sflag:s0] =	ssyncadd.tile.s32 @!p0 $0x1;
	_ =	shalt  }
.Lfunc_end2:
_tile_overlayer_lowered:
.L_overlay_start_2:
0x4c: {  	(tag) =	ssettag $0x2  }
0x4d: {  	s0 =	rddreg [dreg:$0x0];
	s2 =	stileid.u32  }
0x4e: {  	s1 =	rddreg [dreg:$0x1];
	p0 =	sne.s32 s2, $0x0  }
0x4f: {  	s3 =	rddreg [dreg:$0x2];
	[bflag:$0x3] =	sbarrier.arrive $0xFFFF;
	s2 =	simm.s32 @!p0 $0x1C01  }
0x50: {  	[timem:s3], [sflag:s2] =	dma.local @!p0 [hbm:s0], s1  }
0x51: {  	s0 =	simm.s32 @!p0 $0x1  }
0x52: {  	_ =	swait.ge @!p0 [sflag:s0], s1  }
0x53: {  	s1 =	ssub.s32 @!p0 $0x0, s1;
	[sflag:s0] =	ssyncset.done @!p0 $0x0  }
0x54: {  	[sflag:s0] =	ssyncadd.s32 @!p0 s1  }
0x55: {  	[bflag:$0x3] =	sbarrier.arrive $0xFFFF  }
0x56: {  	_ =	shalt  }

// kernel: kernel.13.cloned.1.call-start
scs
__scs_entry_jumppad:
0x0: {  	(pc) =	sbr.rel $0x88, $3  }
0x1: {  	(tag) =	ssettag $0x0;
	lr =	simm.s32 $0x1  }
0x2: {  	[smem:$0x3F8D] =	sst lr;
	_ =	strace $0xD0000000  }
0x3: {  	_ = 	snop  }
0x4: {  	_ = 	snop  }
0x5: {  	_ = 	snop  }
0x6: {  	_ = 	snop  }
0x7: {  	_ = 	snop  }
__scs_overlays_trampoline_lowered:
0x8: {  	[smem:$0x3F9C] =	sst s0  }
0x9: {  	[smem:$0x3F9D] =	sst s1  }
0xa: {  	[smem:$0x3F9E] =	sst s2  }
0xb: {  	[smem:$0x3F9F] =	sst s3  }
0xc: {  	[smem:$0x3FA0] =	sst s4  }
0xd: {  	[smem:$0x3FA1] =	sst s5  }
0xe: {  	[smem:$0x3FA2] =	sst s6  }
0xf: {  	[smem:$0x3FA3] =	sst s7  }
0x10: {  	[smem:$0x3FA4] =	sst s8  }
0x11: {  	[smem:$0x3FA5] =	sst s9;
	s0 =	simm.s32 @!p0 $0x0  }
0x12: {  	s1 =	sld [smem:$0x3F8B];
	s0 =	simm.s32 @p0 $0x1  }
0x13: {  	[smem:$0x3FA6] =	sst s0;
	s0 =	simm.s32 @!p1 $0x0  }
0x14: {  	s2 =	sld [smem:$0x3F8A];
	s0 =	simm.s32 @p1 $0x1  }
0x15: {  	[smem:$0x3FA7] =	sst s0;
	s0 =	simm.s32 @!p2 $0x0  }
0x16: {  	s3 =	sld [smem:$0x3FDB];
	s0 =	simm.s32 @p2 $0x1  }
0x17: {  	s4 =	simm.s32 $0x1BF5;
	[smem:$0x3FA9] =	sst s0  }
0x18: {  	s0 =	sld [smem:$0x3F8C];
	_ =	swait.ge [sflag:s4], $0x0  }
0x19: {  	s7 =	sld [smem:$0x3F8D]  }
0x1a: {  	s8 =	sadd.s32 $0xFFFFE003, lr  }
0x1b: {  	s9 =	sadd.s32 $0xFFFFFEF7, lr;
	s5 =	simm.s32 $0xFFFFFFFF;
	p2 =	slt.u32 s8, $0xFFFFF086  }
0x1c: {  	p1 =	slt.u32 s9, $0xF7A;
	s5 =	simm.s32 @!p2 $0x0  }
0x1d: {  	s5 =	simm.s32 @p1 $0x1;
	p0 =	seq.s32 s7, s2  }
0x1e: {  	s7 =	smul.u32 @!p0 $0xF7A, s2;
	p2 =	seq.s32 @!p0 s5, $0x0  }
0x1f: {  	s9 =	smul.u32 $0xF7A, s1;
	s8 =	simm.s32 @!p0 $0x1BF5;
	p2 =	por !p2, p0  }
0x20: {  	[sflag:s8] =	ssyncset.s32 @!p0 $0xFFFFF086;
	s6 =	sadd.s32 @!p0 s3, s7;
	s7 =	simm.s32 @!p0 $0x108  }
0x21: {  	s3 =	sadd.s32 s3, s9;
	s6 =	sadd.s32 @!p0 $0x88, s6;
	s7 =	simm.s32 @p2 $0x1082  }
0x22: {  	[simem:s7], [sflag:s8] =	dma.local @!p0 [hbm:s6], $0xF7A  }
0x23: {  	s9 =	sor.u32 $0xD0000000, s2;
	s6 =	simm.s32 $0x108;
	_ =	swait.ge @!p0 [sflag:s8], $0x0  }
0x24: {  	s3 =	sadd.s32 $0x88, s3;
	s6 =	simm.s32 @!p1 $0x1082;
	[sflag:s4] =	ssyncset.s32 $0xFFFFF086  }
0x25: {  	[simem:s6], [sflag:s4] =	dma.local [hbm:s3], $0xF7A  }
0x26: {  	[smem:$0x3F8D] =	sst s1;
	(tag) =	ssettag s2;
	_ =	strace s9  }
0x27: {  	s1 =	sld [smem:$0x3F9D]  }
0x28: {  	s2 =	sld [smem:$0x3F9E]  }
0x29: {  	s4 =	sld [smem:$0x3FA0]  }
0x2a: {  	p0 =	seq.s32 s5, $0x0;
	s5 =	sld [smem:$0x3FA1]  }
0x2b: {  	s6 =	sld [smem:$0x3FA2]  }
0x2c: {  	s7 =	sld [smem:$0x3FA3]  }
0x2d: {  	s3 =	simm.s32 $0x108;
	s8 =	sld [smem:$0x3FA4]  }
0x2e: {  	s3 =	simm.s32 @!p0 $0x1082;
	s9 =	sld [smem:$0x3FA5]  }
0x2f: {  	lr =	sadd.s32 s0, s3;
	s0 =	sld [smem:$0x3F9C]  }
0x30: {  	s3 =	sld [smem:$0x3F9F]  }
0x31: {  	[smem:$0x3FA8] =	sst s10  }
0x32: {  	s10 =	sld [smem:$0x3FA6];
	_ =	sdelay $0x3  }
0x33: {  	p0 =	seq.s32 s10, $0x1;
	s10 =	sld [smem:$0x3FA8];
	_ =	sdelay $0x3  }
0x34: {  	[smem:$0x3FA8] =	sst s10  }
0x35: {  	s10 =	sld [smem:$0x3FA7];
	_ =	sdelay $0x3  }
0x36: {  	p1 =	seq.s32 s10, $0x1;
	s10 =	sld [smem:$0x3FA8];
	_ =	sdelay $0x3  }
0x37: {  	[smem:$0x3FA8] =	sst s10  }
0x38: {  	s10 =	sld [smem:$0x3FA9]  }
0x39: {  	_ = 	snop;
	(pc) =	sbr.ind lr, $3  }
0x3a: {  	_ = 	snop  }
0x3b: {  	_ = 	snop  }
0x3c: {  	p2 =	seq.s32 s10, $0x1;
	s10 =	sld [smem:$0x3FA8]  }
0x3d: {  	_ =	shalt  }
0x3e: {  	_ =	shalt  }
0x3f: {  	_ =	shalt  }
0x40: {  	_ =	shalt  }
0x41: {  	_ =	shalt  }
0x42: {  	_ =	shalt  }
0x43: {  	_ =	shalt  }
0x44: {  	_ =	shalt  }
0x45: {  	_ =	shalt  }
0x46: {  	_ =	shalt  }
0x47: {  	_ =	shalt  }
0x48: {  	_ =	shalt  }
0x49: {  	_ =	shalt  }
0x4a: {  	_ =	shalt  }
0x4b: {  	_ =	shalt  }
0x4c: {  	_ =	shalt  }
0x4d: {  	_ =	shalt  }
0x4e: {  	_ =	shalt  }
0x4f: {  	_ =	shalt  }
0x50: {  	_ =	shalt  }
0x51: {  	_ =	shalt  }
0x52: {  	_ =	shalt  }
0x53: {  	_ =	shalt  }
0x54: {  	_ =	shalt  }
0x55: {  	_ =	shalt  }
0x56: {  	_ =	shalt  }
0x57: {  	_ =	shalt  }
0x58: {  	_ =	shalt  }
0x59: {  	_ =	shalt  }
0x5a: {  	_ =	shalt  }
0x5b: {  	_ =	shalt  }
0x5c: {  	_ =	shalt  }
0x5d: {  	_ =	shalt  }
0x5e: {  	_ =	shalt  }
0x5f: {  	_ =	shalt  }
0x60: {  	_ =	shalt  }
0x61: {  	_ =	shalt  }
0x62: {  	_ =	shalt  }
0x63: {  	_ =	shalt  }
0x64: {  	_ =	shalt  }
0x65: {  	_ =	shalt  }
0x66: {  	_ =	shalt  }
0x67: {  	_ =	shalt  }
0x68: {  	_ =	shalt  }
0x69: {  	_ =	shalt  }
0x6a: {  	_ =	shalt  }
0x6b: {  	_ =	shalt  }
0x6c: {  	_ =	shalt  }
0x6d: {  	_ =	shalt  }
0x6e: {  	_ =	shalt  }
0x6f: {  	_ =	shalt  }
0x70: {  	_ =	shalt  }
0x71: {  	_ =	shalt  }
0x72: {  	_ =	shalt  }
0x73: {  	_ =	shalt  }
0x74: {  	_ =	shalt  }
0x75: {  	_ =	shalt  }
0x76: {  	_ =	shalt  }
0x77: {  	_ =	shalt  }
0x78: {  	_ =	shalt  }
0x79: {  	_ =	shalt  }
0x7a: {  	_ =	shalt  }
0x7b: {  	_ =	shalt  }
0x7c: {  	_ =	shalt  }
0x7d: {  	_ =	shalt  }
0x7e: {  	_ =	shalt  }
0x7f: {  	_ =	shalt  }
0x80: {  	_ =	shalt  }
0x81: {  	_ =	shalt  }
0x82: {  	_ =	shalt  }
0x83: {  	_ =	shalt  }
0x84: {  	_ =	shalt  }
0x85: {  	_ =	shalt  }
0x86: {  	_ =	shalt  }
0x87: {  	_ =	shalt  }
.Lfunc_end0:
.L_simem_size_0:
called_computation.1_lowered:
.L_overlay_start_0:
0x88: {  	s2 =	sld [smem:$0x3FD9]  }
0x89: {  	s3 =	sld [smem:$0x3FFE];
	_ =	sdelay $0x1  }
0x8a: {  	s1 =	srdreg.scid  }
0x8b: {  	s0 =	sand.u32 $0x1, s1  }
0x8c: {  	s17 =	sshll.u32 s0, $0xA;
	s2 =	sadd.s32 s3, s2  }
0x8d: {  	s2 =	sadd.s32 s2, s17  }
0x8e: {  	[smem:$0x3FB4] =	sst s2  }
0x8f: {  	_ = 	snop  }
0x90: {  	s2 =	sld [smem:$0x3FBC];
	(tm) =	ssettm $0x1  }
0x91: {  	s18 =	sld [smem:$0x3FFB];
	_ =	sdelay $0x3  }
0x92: {  	_ =	strace s18  }
0x93: {  	s3 =	sld [smem:$0x3FFC];
	_ =	sdelay $0x3  }
0x94: {  	_ =	strace s3  }
0x95: {  	s3 =	sld [smem:$0x3FFD];
	_ =	sdelay $0x3  }
0x96: {  	_ =	strace s3  }
0x97: {  	_ =	strace $0x8FFFFFFF  }
0x98: {  	s19 =	sld [smem:$0x3FDB];
	_ =	sdelay $0x1  }
0x99: {  	s4 =	simm.s32 $_scs_section_size  }
0x9a: {  	s5 =	simm.s32 $_size__tile_overlayer_lowered;
	s6 =	simm.s32 $_tile_overlayer_lowered  }
0x9b: {  	s22 =	simm.s32 $0x1BFF;
	s21 =	sshll.u32 s6, $0x1;
	s3 =	sadd.s32 s4, s19  }
0x9c: {  	s7 =	simm.s32 $0x0;
	s20 =	sshll.u32 s5, $0x1;
	s5 =	sadd.s32 s21, s3  }
0x9d: {  	[timem:s7], [sflag:s22] =	dma.local [hbm:s5], s20  }
0x9e: {  	_ =	swait.ge [sflag:s22], s20  }
0x9f: {  	s4 =	ssub.s32 $0x0, s20;
	[sflag:s22] =	ssyncset.done $0x0  }
0xa0: {  	[sflag:s22] =	ssyncadd.s32 s4;
	_ =	sdelay $0x1  }
0xa1: {  	s23 =	simm.s32 $0x1B8B  }
0xa2: {  	_ =	swait.ge [sflag:s23], $0x1  }
0xa3: {  	[sflag:s23] =	ssyncset.done $0x0  }
0xa4: {  	s25 =	simm.s32 $0x1B8E;
	s24 =	sld [smem:$0x3FFE];
	[sflag:s23] =	ssyncadd.s32 $0xFFFFFFFF  }
0xa5: {  	s26 =	simm.s32 $execute0_lowered;
	[smem:$0x3FD2] =	sst s25  }
0xa6: {  	s5 =	sshll.u32 s26, $0x1;
	_ =	strace $0x80000049;
	[dreg:$0x1] =	wrdreg $0xFFFFFFFF  }
0xa7: {  	s28 =	simm.s32 $_size_execute0_lowered;
	s3 =	sadd.s32 s3, s5;
	[dreg:$0x0] =	wrdreg $0x0  }
0xa8: {  	s5 =	sshll.u32 s28, $0x1;
	[dreg:$0x2] =	wrdreg s3  }
0xa9: {  	[dreg:$0x3] =	wrdreg s5  }
0xaa: {  	[dreg:$0x4] =	wrdreg $0xC0  }
0xab: {  	_ =	task [dreg:s7], $0x5FFFF  }
0xac: {  	[dreg:$0x1] =	wrdreg $0xFFFFFFFF  }
0xad: {  	[dreg:$0x0] =	wrdreg $0x60  }
0xae: {  	[dreg:$0x2] =	wrdreg s2  }
0xaf: {  	[dreg:$0x3] =	wrdreg s24  }
0xb0: {  	[dreg:$0x4] =	wrdreg $0x9  }
0xb1: {  	_ =	task.clear_ibuf [dreg:s7], $0x5FFFF;
	_ =	strace $0x90000049  }
0xb2: {  	s29 =	simm.s32 $0x9;
	_ =	strace $0x8000004B  }
0xb3: {  	_ =	swait.ge [sflag:s29], $0x1  }
0xb4: {  	[sflag:s29] =	ssyncadd.s32 $0xFFFFFFFF  }
0xb5: {  	_ =	strace $0x9000004B  }
0xb6: {  	_ =	sfence  }
0xb7: {  	s30 =	sld [smem:$0x0];
	_ =	sdelay $0x2  }
0xb8: {  	s31 =	sshll.u32 s1, $0xD;
	s1 =	sshrl.u32 s1, $0x2  }
0xb9: {  	s3 =	sand.u32 $0x4000, s31;
	s1 =	sadd.s32 s1, s30  }
0xba: {  	s0 =	sor.u32 s3, s0;
	s1 =	sshll.u32 s1, $0x11  }
0xbb: {  	s0 =	sor.u32 s1, s0  }
0xbc: {  	s0 =	sadd.s32 $0x8F2B, s0  }
0xbd: {  	[sflag:s0] =	ssyncadd.remote.s32 $0x1  }
0xbe: {  	_ =	sfence.sel $0xFFFF  }
0xbf: {  	[dreg:$0x0] =	wrdreg $0xFFFFFFFF;
	(pc) =	sbr.abs _section_cstart, $3  }
0xc0: {  	[dreg:$0x1] =	wrdreg $0xFFFFFFFF  }
0xc1: {  	_ =	task.clear_ibuf [dreg:s7], $0x2FFFF;
	_ =	strace $0x9FFFFFFF  }
0xc2: {  	(tm) =	ssettm $0x7FFFFFFF  }
0xc3: {  	_ =	shalt  }
tec
execute0_lowered:
.L_overlay_start_1:
0x0: {  	(tag) =	ssettag $0x1  }
0x1: {  	s2 =	rddreg [dreg:$0x0]  }
0x2: {  	s4 =	rddreg [dreg:$0x1];
	s3 =	srdreg.scid  }
0x3: {  	s0 =	rddreg [dreg:$0x2];
	s1 =	stileid.u32  }
0x4: {  	s9 =	simm.s32 $0x880;
	s10 =	simm.s32 $0x1080;
	s11 =	simm.s32 $0x1880  }
0x5: {  	s12 =	simm.s32 $0x2080;
	s13 =	simm.s32 $0x2880;
	s14 =	simm.s32 $0x3080  }
0x6: {  	s15 =	simm.s32 $0x3880;
	s16 =	simm.s32 $0x1;
	s5 =	sand.u32 $0x1, s3  }
0x7: {  	s3 =	simm.s32 $0x0;
	s6 =	sshll.u32 s1, $0x7;
	s7 =	sshll.u32 s5, $0x6  }
0x8: {  	[smem:$0x7FF] =	sst s3;
	s5 =	ssub.s32 $0x2, s5;
	s6 =	sor.u32 s7, s6  }
0x9: {  	_ =	strace $0x8000004A;
	s7 =	sshrl.u32 s6, $0x3;
	s6 =	sshll.u32 s6, $0x5  }
0xa: {  	v2 =	vlaneseq.u32;
	s8 =	sshrl.u32 s5, $0x1;
	s7 =	sadd.s32 s7, s4;
	s6 =	sadd.s32 s6, s4  }
0xb: {  	vm0 =	vmmov $0xffff;
	v1 =	vshrl.u32 v2, $0x3;
	s8 =	ssub.s32 s5, s8;
	s4 =	sadd.s32 $0x3E00, s7;
	s5 =	sadd.s32 $0x4000, s6  }
0xc: {  	v0 =	vand.u32 $0x7, v2;
	v2 =	vor.u32 $0x8, v2;
	v1 =	vmul.u32 $0x8, v1;
	s6 =	smax.u32 s8, $0x1;
	s7 =	simm.s32 $0x2;
	s8 =	simm.s32 $0x80  }
.LBB2_1:
0xd: {  	[tilespmem:s3], [sflag:$0x2] =	stream.linear.gather [hbm4b:s4+s3], $0x40, $0x38;
	[tilespmem:$0x4080] =	vst v63  }
0xe: {  	_ =	swait.ge [sflag:s7], $0x40  }
0xf: {  	[sflag:s7] =	ssyncset.done $0x0  }
0x10: {  	[sflag:s7] =	ssyncadd.s32 $0xFFFFFFC0  }
0x11: {  	v3 =	vld [tilespmem:$0x0];
	_ =	sdelay $0x4  }
0x12: {  	v4 =	vshll.u32 v3, $0x1  }
0x13: {  	v3 =	vand.u32 $0x7, v3;
	v4 =	vand.u32 $0xFFFFFFF0, v4  }
0x14: {  	v3 =	vor.u32 v3, v4  }
0x15: {  	v4 =	vperm.xlane v3, v0;
	_ =	sdelay $0x1  }
0x16: {  	v3 =	vperm.xlane v3, v2;
	v4 =	vadd.s32 v1, v4;
	_ =	sdelay $0x1  }
0x17: {  	v3 =	vadd.s32 v1, v3;
	_ =	sdelay $0x2  }
0x18: {  	[tilespmem:s8], [sflag:$0x1] =	stream.indirect_vreg.gather [hbm4b:s2+s3], $0x80, v4, vm0, $0xb8;
	[tilespmem:$0x4080] =	vst v63  }
0x19: {  	_ = 	snop  }
0x1a: {  	[tilespmem:s9], [sflag:$0x1] =	stream.indirect_vreg.gather [hbm4b:s2+s3], $0x80, v3, vm0, $0xb8;
	[tilespmem:$0x4080] =	vst v63  }
0x1b: {  	v3 =	vld [tilespmem:$0x10];
	_ =	sdelay $0x4  }
0x1c: {  	v61 =	vshll.u32 v3, $0x1  }
0x1d: {  	v3 =	vand.u32 $0x7, v3;
	v4 =	vand.u32 $0xFFFFFFF0, v61  }
0x1e: {  	v3 =	vor.u32 v3, v4  }
0x1f: {  	v4 =	vperm.xlane v3, v0;
	_ =	sdelay $0x1  }
0x20: {  	v3 =	vperm.xlane v3, v2;
	v4 =	vadd.s32 v1, v4;
	_ =	sdelay $0x1  }
0x21: {  	v3 =	vadd.s32 v1, v3;
	_ =	sdelay $0x2  }
0x22: {  	[tilespmem:s10], [sflag:$0x1] =	stream.indirect_vreg.gather [hbm4b:s2+s3], $0x80, v4, vm0, $0xb8;
	[tilespmem:$0x4080] =	vst v63  }
0x23: {  	_ = 	snop  }
0x24: {  	[tilespmem:s11], [sflag:$0x1] =	stream.indirect_vreg.gather [hbm4b:s2+s3], $0x80, v3, vm0, $0xb8;
	[tilespmem:$0x4080] =	vst v63  }
0x25: {  	v3 =	vld [tilespmem:$0x20];
	_ =	sdelay $0x4  }
0x26: {  	v62 =	vshll.u32 v3, $0x1  }
0x27: {  	v3 =	vand.u32 $0x7, v3;
	v4 =	vand.u32 $0xFFFFFFF0, v62  }
0x28: {  	v3 =	vor.u32 v3, v4  }
0x29: {  	v4 =	vperm.xlane v3, v0;
	_ =	sdelay $0x1  }
0x2a: {  	v3 =	vperm.xlane v3, v2;
	v4 =	vadd.s32 v1, v4;
	_ =	sdelay $0x1  }
0x2b: {  	v3 =	vadd.s32 v1, v3;
	_ =	sdelay $0x2  }
0x2c: {  	[tilespmem:s12], [sflag:$0x1] =	stream.indirect_vreg.gather [hbm4b:s2+s3], $0x80, v4, vm0, $0xb8;
	[tilespmem:$0x4080] =	vst v63  }
0x2d: {  	_ = 	snop  }
0x2e: {  	[tilespmem:s13], [sflag:$0x1] =	stream.indirect_vreg.gather [hbm4b:s2+s3], $0x80, v3, vm0, $0xb8;
	[tilespmem:$0x4080] =	vst v63  }
0x2f: {  	v3 =	vld [tilespmem:$0x30];
	_ =	sdelay $0x4  }
0x30: {  	v63 =	vshll.u32 v3, $0x1  }
0x31: {  	v3 =	vand.u32 $0x7, v3;
	v4 =	vand.u32 $0xFFFFFFF0, v63  }
0x32: {  	v3 =	vor.u32 v3, v4  }
0x33: {  	v4 =	vperm.xlane v3, v0;
	_ =	sdelay $0x1  }
0x34: {  	v3 =	vperm.xlane v3, v2;
	v4 =	vadd.s32 v1, v4;
	_ =	sdelay $0x1  }
0x35: {  	v3 =	vadd.s32 v1, v3;
	_ =	sdelay $0x2  }
0x36: {  	[tilespmem:s14], [sflag:$0x1] =	stream.indirect_vreg.gather [hbm4b:s2+s3], $0x80, v4, vm0, $0xb8;
	[tilespmem:$0x4080] =	vst v63  }
0x37: {  	_ = 	snop  }
0x38: {  	[tilespmem:s15], [sflag:$0x1] =	stream.indirect_vreg.gather [hbm4b:s2+s3], $0x80, v3, vm0, $0xb8;
	[tilespmem:$0x4080] =	vst v63  }
0x39: {  	_ =	swait.ge [sflag:s16], $0x4000  }
0x3a: {  	p0 =	sne.s32 s6, $0x1;
	[sflag:s16] =	ssyncset.done $0x0  }
.Ltmp0:
0x3b: {  	[sflag:s16] =	ssyncadd.s32 $0xFFFFC000;
	(pc) =	sbr.rel @p0 .LBB2_1-.Ltmp0, $4  }
0x3c: {  	[hbm4b:s5+s3] =	stream.linear.scatter [tilespmem:s8], [sflag:$0x2], $0x4000, $0x38;
	[tilespmem:$0x4080] =	vst v63  }
0x3d: {  	_ =	swait.ge [sflag:s7], $0x4000  }
0x3e: {  	[sflag:s7] =	ssyncset.done $0x0  }
0x3f: {  	s6 =	sadd.s32 $0xFFFFFFFF, s6;
	[sflag:s7] =	ssyncadd.s32 $0xFFFFC000  }
0x40: {  	_ =	sfence.sel $0x180000  }
0x41: {  	[bflag:$0x0] =	sbarrier.arrive $0xFFFF  }
0x42: {  	p0 =	sne.s32 s1, $0x0;
	_ =	strace $0x9000004A  }
0x43: {  	s0 =	sadd.s32 @!p0 $0x100000, s0;
	[bflag:$0x2] =	sbarrier.arrive $0xFFFF  }
0x44: {  	[sflag:s0] =	ssyncadd.tile.s32 @!p0 $0x1;
	_ =	shalt  }
.Lfunc_end2:
_tile_overlayer_lowered:
.L_overlay_start_2:
0x45: {  	(tag) =	ssettag $0x2  }
0x46: {  	s0 =	rddreg [dreg:$0x0];
	s2 =	stileid.u32  }
0x47: {  	s1 =	rddreg [dreg:$0x1];
	p0 =	sne.s32 s2, $0x0  }
0x48: {  	s3 =	rddreg [dreg:$0x2];
	[bflag:$0x3] =	sbarrier.arrive $0xFFFF;
	s2 =	simm.s32 @!p0 $0x1C02  }
0x49: {  	[timem:s3], [sflag:s2] =	dma.local @!p0 [hbm:s0], s1  }
0x4a: {  	s0 =	simm.s32 @!p0 $0x2  }
0x4b: {  	_ =	swait.ge @!p0 [sflag:s0], s1  }
0x4c: {  	s1 =	ssub.s32 @!p0 $0x0, s1;
	[sflag:s0] =	ssyncset.done @!p0 $0x0  }
0x4d: {  	[sflag:s0] =	ssyncadd.s32 @!p0 s1  }
0x4e: {  	[bflag:$0x3] =	sbarrier.arrive $0xFFFF  }
0x4f: {  	_ =	shalt  }

</sc_bundles>
